<compile_context>
chip_gen: v7x
topology: tpu7x:2x2x1
jax: 0.10.2.dev20260603
libtpu: 0.0.44.dev20260713+nightly
codegen_flags: <defaults>
</compile_context>

<pallas_src>
import functools

import jax
import jax.numpy as jnp
from jax import lax
from jax.experimental import pallas as pl
from jax.experimental.pallas import tpu as pltpu
from jax.experimental.pallas import tpu_sc as plsc

_B = 4096
_N = 200
_D = 128
_HALF = _D // 2
_TOK = _B * _N
_NW = 32
_PER_W = _TOK // _NW
_CH = 128
_NB = 4
_NCH = _PER_W // _CH
_NROW = 3001

_mesh = plsc.VectorSubcoreMesh(core_axis_name="c", subcore_axis_name="s")


@functools.partial(
    pl.kernel,
    out_type=jax.ShapeDtypeStruct((2 * _TOK, _HALF), jnp.float32),
    mesh=_mesh,
    compiler_params=pltpu.CompilerParams(
        use_tc_tiling_on_sc=False, needs_layout_passes=False),
    scratch_types=[
        pltpu.VMEM((_PER_W,), jnp.int32),
        pltpu.VMEM((_PER_W,), jnp.int32),
        pltpu.VMEM((_NB, 2 * _CH), jnp.int32),
        pltpu.VMEM((_NB, 2 * _CH, _HALF), jnp.float32),
        pltpu.VMEM_SHARED((_NROW + 3, _HALF), jnp.float32),
        pltpu.SemaphoreType.DMA,
        [pltpu.SemaphoreType.DMA] * _NB,
        [pltpu.SemaphoreType.DMA] * _NB,
    ],
)
def _pe_gather(doy_hbm, grp_hbm, tab_hbm, out_hbm,
               doy_all, grp_all, idx_v, rows_v, tab_sh, isem, gsems, wsems):
    wid = lax.axis_index("s") * 2 + lax.axis_index("c")
    base0 = wid * _PER_W
    lane = jax.lax.iota(jnp.int32, 16)

    pltpu.async_copy(doy_hbm.at[pl.ds(base0, _PER_W)], doy_all, isem)
    pltpu.async_copy(grp_hbm.at[pl.ds(base0, _PER_W)], grp_all, isem)

    @pl.when(lax.axis_index("s") == 0)
    def _stage():
        pltpu.sync_copy(tab_hbm, tab_sh)

    plsc.subcore_barrier()
    pltpu.make_async_copy(doy_hbm.at[pl.ds(0, _PER_W)], doy_all, isem).wait()
    pltpu.make_async_copy(grp_hbm.at[pl.ds(0, _PER_W)], grp_all, isem).wait()

    def drain(src, dst, sem):
        pltpu.make_async_copy(src, dst, sem).wait()

    def body(i, _):
        gs = [None] * _NB
        for b in range(_NB):
            off = (i * _NB + b) * _CH
            for j in range(_CH // 16):
                dv = doy_all[pl.ds(off + j * 16, 16)]
                gv = grp_all[pl.ds(off + j * 16, 16)] + _NROW
                pos = (j * 16) * 2 + lane * 2
                plsc.store_scatter(idx_v.at[b], [pos], dv)
                plsc.store_scatter(idx_v.at[b], [pos + 1], gv)
            @pl.when(i > 0)
            def _():
                drain(out_hbm.at[pl.ds(0, 2 * _CH)], rows_v.at[b], wsems[b])

            gs[b] = pltpu.async_copy(
                tab_sh.at[idx_v.at[b]], rows_v.at[b], gsems[b])

        for b in range(_NB):
            base = base0 + (i * _NB + b) * _CH
            gs[b].wait()
            pltpu.async_copy(
                rows_v.at[b], out_hbm.at[pl.ds(2 * base, 2 * _CH)], wsems[b])
        return 0

    lax.fori_loop(0, _NCH // _NB, body, 0)
    for b in range(_NB):
        drain(out_hbm.at[pl.ds(0, 2 * _CH)], rows_v.at[b], wsems[b])


def kernel(doy, group, pe_doy, pe_group):
    doy_f = doy.reshape(_TOK).astype(jnp.int32)
    grp_f = group.reshape(_TOK).astype(jnp.int32)
    tab = jnp.concatenate([pe_doy, pe_group], axis=0)
    out = _pe_gather(doy_f, grp_f, tab)
    return out.reshape(_B, _N, _D)[:, :, :, None, None]

# --- scband reference (transcript-rebuilt; emitter-appended) ---
"""Pipeline reference for scband-positional-temporal-encoding-48361331753555 (READ-ONLY COPY).

The authoritative reference and input builder live on the scoring server;
editing this copy changes nothing except your own understanding.
"""

import jax, jax.numpy as jnp
import numpy as np
import math

D_MODEL = 128
MAX_LEN = 3000
T_CONST = 10000
NUM_GROUPS = 3
BATCH = 4096
SEQ = 200


def _build_tables():
    doy_dim = D_MODEL // 2
    pe_doy = np.zeros((MAX_LEN + 1, doy_dim), dtype=np.float32)
    position = np.arange(0, MAX_LEN, dtype=np.float32)[:, None]
    div_term = np.exp(np.arange(0, doy_dim, 2, dtype=np.float32) * -(math.log(T_CONST) / doy_dim))
    pe_doy[1:, 0::2] = np.sin(position * div_term)
    pe_doy[1:, 1::2] = np.cos(position * div_term)
    group_dim = D_MODEL - doy_dim
    pe_group = np.zeros((NUM_GROUPS, group_dim), dtype=np.float32)
    gpos = np.arange(NUM_GROUPS, dtype=np.float32)[:, None]
    gdiv = np.exp(np.arange(0, group_dim, 2, dtype=np.float32) * -(math.log(T_CONST) / group_dim))
    pe_group[:, 0::2] = np.sin(gpos * gdiv)
    pe_group[:, 1::2] = np.cos(gpos * gdiv)
    return jnp.asarray(pe_doy), jnp.asarray(pe_group)


def setup_inputs(seed: int = 0) -> dict:
    key = jax.random.key(seed)
    k1, k2 = jax.random.split(key)
    doy = jax.random.randint(k1, (BATCH, SEQ), 0, MAX_LEN + 1)
    group = jax.random.randint(k2, (BATCH, SEQ), 0, NUM_GROUPS)
    pe_doy, pe_group = _build_tables()
    return {"doy": doy, "group": group, "pe_doy": pe_doy, "pe_group": pe_group}


def reference(doy, group, pe_doy, pe_group):
    # torch.stack([pe_doy_batch[b, i, :] for b, i in enumerate(doy)])
    # pe_doy_batch[b] == pe_doy[0] for every b, so this is a plain gather.
    res_doy = jnp.take(pe_doy, doy, axis=0)          # [B, N, d_model//2]
    res_group = jnp.take(pe_group, group, axis=0)    # [B, N, d_model//2]
    res = jnp.concatenate([res_doy, res_group], axis=-1)  # [B, N, d_model]
    # rearrange 'b n c -> b n c 1 1'
    return res[:, :, :, None, None]

if __name__ == "__main__":
    import jax
    _d = setup_inputs()
    print(jax.jit(kernel)(*tuple(_d.values())))

</pallas_src>

<mosaic_0001>
#map = affine_map<(d0, d1) -> (0)>
#map1 = affine_map<(d0, d1) -> (0, 0)>
module attributes {stable_mosaic.version = 14 : i64} {
  func.func @_pe_gather(%arg0: i32, %arg1: i32, %arg2: memref<819200xi32, #tpu.memory_space<hbm>>, %arg3: memref<819200xi32, #tpu.memory_space<hbm>>, %arg4: memref<3004x64xf32, #tpu.memory_space<hbm>>, %arg5: memref<1638400x64xf32, #tpu.memory_space<hbm>>, %arg6: memref<25600xi32, #tpu.memory_space<vmem>>, %arg7: memref<25600xi32, #tpu.memory_space<vmem>>, %arg8: memref<4x256xi32, #tpu.memory_space<vmem>>, %arg9: memref<4x256x64xf32, #tpu.memory_space<vmem>>, %arg10: memref<3004x64xf32, #tpu.memory_space<vmem_shared>>, %arg11: memref<!tpu.dma_semaphore, #tpu.memory_space<semaphore_mem>>, %arg12: memref<!tpu.dma_semaphore, #tpu.memory_space<semaphore_mem>>, %arg13: memref<!tpu.dma_semaphore, #tpu.memory_space<semaphore_mem>>, %arg14: memref<!tpu.dma_semaphore, #tpu.memory_space<semaphore_mem>>, %arg15: memref<!tpu.dma_semaphore, #tpu.memory_space<semaphore_mem>>, %arg16: memref<!tpu.dma_semaphore, #tpu.memory_space<semaphore_mem>>, %arg17: memref<!tpu.dma_semaphore, #tpu.memory_space<semaphore_mem>>, %arg18: memref<!tpu.dma_semaphore, #tpu.memory_space<semaphore_mem>>, %arg19: memref<!tpu.dma_semaphore, #tpu.memory_space<semaphore_mem>>) attributes {dimension_semantics = [#tpu.dimension_semantics<core_parallel>, #tpu.dimension_semantics<subcore_parallel>], iteration_bounds = array<i64: 2, 16>, scalar_prefetch = 0 : i64, scratch_operands = 14 : i64, tpu.core_type = #tpu.core_type<sc_vector_subcore>, window_params = [{transform_indices = #map}, {transform_indices = #map}, {transform_indices = #map1}, {transform_indices = #map1}]} {
    %mul3A = arith.constant 2 : i32
    %mul3A_0 = arith.muli %arg1, %mul3A : i32
    %add3A = arith.addi %mul3A_0, %arg0 : i32
    %mul3A_1 = arith.constant 25600 : i32
    %mul3A_2 = arith.muli %add3A, %mul3A_1 : i32
    %iota3A = tpu.iota {dimensions = array<i32: 0>} : vector<16xi32>
    %dma_start3A = tpu.memref_slice %arg2[%mul3A_2] : memref<819200xi32, #tpu.memory_space<hbm>> -> memref<25600xi32, #tpu.memory_space<hbm>>
    %dma_start3A_3 = tpu.memref_slice %arg2[%mul3A_2] : memref<819200xi32, #tpu.memory_space<hbm>> -> memref<25600xi32, #tpu.memory_space<hbm>>
    tpu.enqueue_dma source(%dma_start3A_3 : memref<25600xi32, #tpu.memory_space<hbm>>) target(%arg6 : memref<25600xi32, #tpu.memory_space<vmem>>) target_semaphore(%arg11 : memref<!tpu.dma_semaphore, #tpu.memory_space<semaphore_mem>>)
    %dma_start3A_4 = tpu.memref_slice %arg3[%mul3A_2] : memref<819200xi32, #tpu.memory_space<hbm>> -> memref<25600xi32, #tpu.memory_space<hbm>>
    %dma_start3A_5 = tpu.memref_slice %arg3[%mul3A_2] : memref<819200xi32, #tpu.memory_space<hbm>> -> memref<25600xi32, #tpu.memory_space<hbm>>
    tpu.enqueue_dma source(%dma_start3A_5 : memref<25600xi32, #tpu.memory_space<hbm>>) target(%arg7 : memref<25600xi32, #tpu.memory_space<vmem>>) target_semaphore(%arg11 : memref<!tpu.dma_semaphore, #tpu.memory_space<semaphore_mem>>)
    %eq3A = arith.constant 0 : i32
    %eq3A_6 = arith.cmpi eq, %arg1, %eq3A : i32
    %convert_element_type3A = arith.extui %eq3A_6 : i1 to i32
    %cond3A = arith.constant 0 : i32
    %cond3A_7 = arith.cmpi ne, %convert_element_type3A, %cond3A : i32
    scf.if %cond3A_7 {
      "tpu.region"() ({
        %run_scoped3A = tpu.sem_alloc : memref<!tpu.dma_semaphore, #tpu.memory_space<semaphore_mem>>
        tpu.enqueue_dma source(%arg4 : memref<3004x64xf32, #tpu.memory_space<hbm>>) target(%arg10 : memref<3004x64xf32, #tpu.memory_space<vmem_shared>>) target_semaphore(%run_scoped3A : memref<!tpu.dma_semaphore, #tpu.memory_space<semaphore_mem>>)
        tpu.wait_dma2 semaphore(%run_scoped3A : memref<!tpu.dma_semaphore, #tpu.memory_space<semaphore_mem>>) src(%arg4 : memref<3004x64xf32, #tpu.memory_space<hbm>>) dst(%arg10 : memref<3004x64xf32, #tpu.memory_space<vmem_shared>>)
        tpu.yield
      }) : () -> ()
    } else {
    }
    %barrier3A = arith.constant 0 : index
    tpu.barrier barrier_id(%barrier3A)
    %dma_wait3A = arith.constant 0 : i32
    %dma_wait3A_8 = tpu.memref_slice %arg2[%dma_wait3A] : memref<819200xi32, #tpu.memory_space<hbm>> -> memref<25600xi32, #tpu.memory_space<hbm>>
    %dma_wait3A_9 = arith.constant 0 : i32
    %dma_wait3A_10 = tpu.memref_slice %arg2[%dma_wait3A_9] : memref<819200xi32, #tpu.memory_space<hbm>> -> memref<25600xi32, #tpu.memory_space<hbm>>
    tpu.wait_dma2 semaphore(%arg11 : memref<!tpu.dma_semaphore, #tpu.memory_space<semaphore_mem>>) src(%dma_wait3A_10 : memref<25600xi32, #tpu.memory_space<hbm>>) dst(%arg6 : memref<25600xi32, #tpu.memory_space<vmem>>)
    %dma_wait3A_11 = arith.constant 0 : i32
    %dma_wait3A_12 = tpu.memref_slice %arg3[%dma_wait3A_11] : memref<819200xi32, #tpu.memory_space<hbm>> -> memref<25600xi32, #tpu.memory_space<hbm>>
    %dma_wait3A_13 = arith.constant 0 : i32
    %dma_wait3A_14 = tpu.memref_slice %arg3[%dma_wait3A_13] : memref<819200xi32, #tpu.memory_space<hbm>> -> memref<25600xi32, #tpu.memory_space<hbm>>
    tpu.wait_dma2 semaphore(%arg11 : memref<!tpu.dma_semaphore, #tpu.memory_space<semaphore_mem>>) src(%dma_wait3A_14 : memref<25600xi32, #tpu.memory_space<hbm>>) dst(%arg7 : memref<25600xi32, #tpu.memory_space<vmem>>)
    %scan3A = arith.constant 0 : i32
    %scan3A_15 = arith.constant 0 : i32
    %scan3A_16 = arith.constant 50 : i32
    %scan3A_17 = arith.addi %scan3A_15, %scan3A_16 : i32
    %scan3A_18 = arith.constant 1 : i32
    %scan3A_19 = scf.for %scan3A_81 = %scan3A_15 to %scan3A_17 step %scan3A_18 iter_args(%scan3A_82 = %scan3A) -> (i32)  : i32 {
      %mul3A_83 = arith.constant 4 : i32
      %mul3A_84 = arith.muli %scan3A_81, %mul3A_83 : i32
      %add3A_85 = arith.constant 0 : i32
      %add3A_86 = arith.addi %mul3A_84, %add3A_85 : i32
      %mul3A_87 = arith.constant 128 : i32
      %mul3A_88 = arith.muli %add3A_86, %mul3A_87 : i32
      %add3A_89 = arith.constant 0 : i32
      %add3A_90 = arith.addi %mul3A_88, %add3A_89 : i32
      %get3A = arith.index_cast %add3A_90 : i32 to index
      %get3A_91 = tpu.vector_load %arg6[%get3A] {strides = array<i32>} : memref<25600xi32, #tpu.memory_space<vmem>>, vector<16xi32>,
      %add3A_92 = arith.constant 0 : i32
      %add3A_93 = arith.addi %mul3A_88, %add3A_92 : i32
      %get3A_94 = arith.index_cast %add3A_93 : i32 to index
      %get3A_95 = tpu.vector_load %arg7[%get3A_94] {strides = array<i32>} : memref<25600xi32, #tpu.memory_space<vmem>>, vector<16xi32>,
      %add3A_96 = arith.constant 3001 : i32
      %add3A_97 = vector.broadcast %add3A_96 : i32 to vector<16xi32>
      %add3A_98 = arith.addi %get3A_95, %add3A_97 : vector<16xi32>
      %mul3A_99 = arith.constant 2 : i32
      %mul3A_100 = vector.broadcast %mul3A_99 : i32 to vector<16xi32>
      %mul3A_101 = arith.muli %iota3A, %mul3A_100 : vector<16xi32>
      %add3A_102 = arith.constant 0 : i32
      %add3A_103 = vector.broadcast %add3A_102 : i32 to vector<16xi32>
      %add3A_104 = arith.addi %add3A_103, %mul3A_101 : vector<16xi32>
      %scatter3A = arith.constant 0 : i32
      %scatter3A_105 = arith.constant 0 : i32
      %scatter3A_106 = tpu.memref_slice %arg8[%scatter3A, %scatter3A_105] : memref<4x256xi32, #tpu.memory_space<vmem>> -> memref<1x256xi32, #tpu.memory_space<vmem>>
      %scatter3A_107 = tpu.memref_squeeze %scatter3A_106 : memref<1x256xi32, #tpu.memory_space<vmem>> -> memref<256xi32, #tpu.memory_space<vmem>>
      tpu.vector_store_idx %scatter3A_107[%add3A_104], %get3A_91 : memref<256xi32, #tpu.memory_space<vmem>>[vector<16xi32>], vector<16xi32>,
      %add3A_108 = arith.constant 1 : i32
      %add3A_109 = vector.broadcast %add3A_108 : i32 to vector<16xi32>
      %add3A_110 = arith.addi %add3A_104, %add3A_109 : vector<16xi32>
      %scatter3A_111 = arith.constant 0 : i32
      %scatter3A_112 = arith.constant 0 : i32
      %scatter3A_113 = tpu.memref_slice %arg8[%scatter3A_111, %scatter3A_112] : memref<4x256xi32, #tpu.memory_space<vmem>> -> memref<1x256xi32, #tpu.memory_space<vmem>>
      %scatter3A_114 = tpu.memref_squeeze %scatter3A_113 : memref<1x256xi32, #tpu.memory_space<vmem>> -> memref<256xi32, #tpu.memory_space<vmem>>
      tpu.vector_store_idx %scatter3A_114[%add3A_110], %add3A_98 : memref<256xi32, #tpu.memory_space<vmem>>[vector<16xi32>], vector<16xi32>,
      %add3A_115 = arith.constant 16 : i32
      %add3A_116 = arith.addi %mul3A_88, %add3A_115 : i32
      %get3A_117 = arith.index_cast %add3A_116 : i32 to index
      %get3A_118 = tpu.vector_load %arg6[%get3A_117] {strides = array<i32>} : memref<25600xi32, #tpu.memory_space<vmem>>, vector<16xi32>,
      %add3A_119 = arith.constant 16 : i32
      %add3A_120 = arith.addi %mul3A_88, %add3A_119 : i32
      %get3A_121 = arith.index_cast %add3A_120 : i32 to index
      %get3A_122 = tpu.vector_load %arg7[%get3A_121] {strides = array<i32>} : memref<25600xi32, #tpu.memory_space<vmem>>, vector<16xi32>,
      %add3A_123 = arith.constant 3001 : i32
      %add3A_124 = vector.broadcast %add3A_123 : i32 to vector<16xi32>
      %add3A_125 = arith.addi %get3A_122, %add3A_124 : vector<16xi32>
      %mul3A_126 = arith.constant 2 : i32
      %mul3A_127 = vector.broadcast %mul3A_126 : i32 to vector<16xi32>
      %mul3A_128 = arith.muli %iota3A, %mul3A_127 : vector<16xi32>
      %add3A_129 = arith.constant 32 : i32
      %add3A_130 = vector.broadcast %add3A_129 : i32 to vector<16xi32>
      %add3A_131 = arith.addi %add3A_130, %mul3A_128 : vector<16xi32>
      %scatter3A_132 = arith.constant 0 : i32
      %scatter3A_133 = arith.constant 0 : i32
      %scatter3A_134 = tpu.memref_slice %arg8[%scatter3A_132, %scatter3A_133] : memref<4x256xi32, #tpu.memory_space<vmem>> -> memref<1x256xi32, #tpu.memory_space<vmem>>
      %scatter3A_135 = tpu.memref_squeeze %scatter3A_134 : memref<1x256xi32, #tpu.memory_space<vmem>> -> memref<256xi32, #tpu.memory_space<vmem>>
      tpu.vector_store_idx %scatter3A_135[%add3A_131], %get3A_118 : memref<256xi32, #tpu.memory_space<vmem>>[vector<16xi32>], vector<16xi32>,
      %add3A_136 = arith.constant 1 : i32
      %add3A_137 = vector.broadcast %add3A_136 : i32 to vector<16xi32>
      %add3A_138 = arith.addi %add3A_131, %add3A_137 : vector<16xi32>
      %scatter3A_139 = arith.constant 0 : i32
      %scatter3A_140 = arith.constant 0 : i32
      %scatter3A_141 = tpu.memref_slice %arg8[%scatter3A_139, %scatter3A_140] : memref<4x256xi32, #tpu.memory_space<vmem>> -> memref<1x256xi32, #tpu.memory_space<vmem>>
      %scatter3A_142 = tpu.memref_squeeze %scatter3A_141 : memref<1x256xi32, #tpu.memory_space<vmem>> -> memref<256xi32, #tpu.memory_space<vmem>>
      tpu.vector_store_idx %scatter3A_142[%add3A_138], %add3A_125 : memref<256xi32, #tpu.memory_space<vmem>>[vector<16xi32>], vector<16xi32>,
      %add3A_143 = arith.constant 32 : i32
      %add3A_144 = arith.addi %mul3A_88, %add3A_143 : i32
      %get3A_145 = arith.index_cast %add3A_144 : i32 to index
      %get3A_146 = tpu.vector_load %arg6[%get3A_145] {strides = array<i32>} : memref<25600xi32, #tpu.memory_space<vmem>>, vector<16xi32>,
      %add3A_147 = arith.constant 32 : i32
      %add3A_148 = arith.addi %mul3A_88, %add3A_147 : i32
      %get3A_149 = arith.index_cast %add3A_148 : i32 to index
      %get3A_150 = tpu.vector_load %arg7[%get3A_149] {strides = array<i32>} : memref<25600xi32, #tpu.memory_space<vmem>>, vector<16xi32>,
      %add3A_151 = arith.constant 3001 : i32
      %add3A_152 = vector.broadcast %add3A_151 : i32 to vector<16xi32>
      %add3A_153 = arith.addi %get3A_150, %add3A_152 : vector<16xi32>
      %mul3A_154 = arith.constant 2 : i32
      %mul3A_155 = vector.broadcast %mul3A_154 : i32 to vector<16xi32>
      %mul3A_156 = arith.muli %iota3A, %mul3A_155 : vector<16xi32>
      %add3A_157 = arith.constant 64 : i32
      %add3A_158 = vector.broadcast %add3A_157 : i32 to vector<16xi32>
      %add3A_159 = arith.addi %add3A_158, %mul3A_156 : vector<16xi32>
      %scatter3A_160 = arith.constant 0 : i32
      %scatter3A_161 = arith.constant 0 : i32
      %scatter3A_162 = tpu.memref_slice %arg8[%scatter3A_160, %scatter3A_161] : memref<4x256xi32, #tpu.memory_space<vmem>> -> memref<1x256xi32, #tpu.memory_space<vmem>>
      %scatter3A_163 = tpu.memref_squeeze %scatter3A_162 : memref<1x256xi32, #tpu.memory_space<vmem>> -> memref<256xi32, #tpu.memory_space<vmem>>
      tpu.vector_store_idx %scatter3A_163[%add3A_159], %get3A_146 : memref<256xi32, #tpu.memory_space<vmem>>[vector<16xi32>], vector<16xi32>,
      %add3A_164 = arith.constant 1 : i32
      %add3A_165 = vector.broadcast %add3A_164 : i32 to vector<16xi32>
      %add3A_166 = arith.addi %add3A_159, %add3A_165 : vector<16xi32>
      %scatter3A_167 = arith.constant 0 : i32
      %scatter3A_168 = arith.constant 0 : i32
      %scatter3A_169 = tpu.memref_slice %arg8[%scatter3A_167, %scatter3A_168] : memref<4x256xi32, #tpu.memory_space<vmem>> -> memref<1x256xi32, #tpu.memory_space<vmem>>
      %scatter3A_170 = tpu.memref_squeeze %scatter3A_169 : memref<1x256xi32, #tpu.memory_space<vmem>> -> memref<256xi32, #tpu.memory_space<vmem>>
      tpu.vector_store_idx %scatter3A_170[%add3A_166], %add3A_153 : memref<256xi32, #tpu.memory_space<vmem>>[vector<16xi32>], vector<16xi32>,
      %add3A_171 = arith.constant 48 : i32
      %add3A_172 = arith.addi %mul3A_88, %add3A_171 : i32
      %get3A_173 = arith.index_cast %add3A_172 : i32 to index
      %get3A_174 = tpu.vector_load %arg6[%get3A_173] {strides = array<i32>} : memref<25600xi32, #tpu.memory_space<vmem>>, vector<16xi32>,
      %add3A_175 = arith.constant 48 : i32
      %add3A_176 = arith.addi %mul3A_88, %add3A_175 : i32
      %get3A_177 = arith.index_cast %add3A_176 : i32 to index
      %get3A_178 = tpu.vector_load %arg7[%get3A_177] {strides = array<i32>} : memref<25600xi32, #tpu.memory_space<vmem>>, vector<16xi32>,
      %add3A_179 = arith.constant 3001 : i32
      %add3A_180 = vector.broadcast %add3A_179 : i32 to vector<16xi32>
      %add3A_181 = arith.addi %get3A_178, %add3A_180 : vector<16xi32>
      %mul3A_182 = arith.constant 2 : i32
      %mul3A_183 = vector.broadcast %mul3A_182 : i32 to vector<16xi32>
      %mul3A_184 = arith.muli %iota3A, %mul3A_183 : vector<16xi32>
      %add3A_185 = arith.constant 96 : i32
      %add3A_186 = vector.broadcast %add3A_185 : i32 to vector<16xi32>
      %add3A_187 = arith.addi %add3A_186, %mul3A_184 : vector<16xi32>
      %scatter3A_188 = arith.constant 0 : i32
      %scatter3A_189 = arith.constant 0 : i32
      %scatter3A_190 = tpu.memref_slice %arg8[%scatter3A_188, %scatter3A_189] : memref<4x256xi32, #tpu.memory_space<vmem>> -> memref<1x256xi32, #tpu.memory_space<vmem>>
      %scatter3A_191 = tpu.memref_squeeze %scatter3A_190 : memref<1x256xi32, #tpu.memory_space<vmem>> -> memref<256xi32, #tpu.memory_space<vmem>>
      tpu.vector_store_idx %scatter3A_191[%add3A_187], %get3A_174 : memref<256xi32, #tpu.memory_space<vmem>>[vector<16xi32>], vector<16xi32>,
      %add3A_192 = arith.constant 1 : i32
      %add3A_193 = vector.broadcast %add3A_192 : i32 to vector<16xi32>
      %add3A_194 = arith.addi %add3A_187, %add3A_193 : vector<16xi32>
      %scatter3A_195 = arith.constant 0 : i32
      %scatter3A_196 = arith.constant 0 : i32
      %scatter3A_197 = tpu.memref_slice %arg8[%scatter3A_195, %scatter3A_196] : memref<4x256xi32, #tpu.memory_space<vmem>> -> memref<1x256xi32, #tpu.memory_space<vmem>>
      %scatter3A_198 = tpu.memref_squeeze %scatter3A_197 : memref<1x256xi32, #tpu.memory_space<vmem>> -> memref<256xi32, #tpu.memory_space<vmem>>
      tpu.vector_store_idx %scatter3A_198[%add3A_194], %add3A_181 : memref<256xi32, #tpu.memory_space<vmem>>[vector<16xi32>], vector<16xi32>,
      %add3A_199 = arith.constant 64 : i32
      %add3A_200 = arith.addi %mul3A_88, %add3A_199 : i32
      %get3A_201 = arith.index_cast %add3A_200 : i32 to index
      %get3A_202 = tpu.vector_load %arg6[%get3A_201] {strides = array<i32>} : memref<25600xi32, #tpu.memory_space<vmem>>, vector<16xi32>,
      %add3A_203 = arith.constant 64 : i32
      %add3A_204 = arith.addi %mul3A_88, %add3A_203 : i32
      %get3A_205 = arith.index_cast %add3A_204 : i32 to index
      %get3A_206 = tpu.vector_load %arg7[%get3A_205] {strides = array<i32>} : memref<25600xi32, #tpu.memory_space<vmem>>, vector<16xi32>,
      %add3A_207 = arith.constant 3001 : i32
      %add3A_208 = vector.broadcast %add3A_207 : i32 to vector<16xi32>
      %add3A_209 = arith.addi %get3A_206, %add3A_208 : vector<16xi32>
      %mul3A_210 = arith.constant 2 : i32
      %mul3A_211 = vector.broadcast %mul3A_210 : i32 to vector<16xi32>
      %mul3A_212 = arith.muli %iota3A, %mul3A_211 : vector<16xi32>
      %add3A_213 = arith.constant 128 : i32
      %add3A_214 = vector.broadcast %add3A_213 : i32 to vector<16xi32>
      %add3A_215 = arith.addi %add3A_214, %mul3A_212 : vector<16xi32>
      %scatter3A_216 = arith.constant 0 : i32
      %scatter3A_217 = arith.constant 0 : i32
      %scatter3A_218 = tpu.memref_slice %arg8[%scatter3A_216, %scatter3A_217] : memref<4x256xi32, #tpu.memory_space<vmem>> -> memref<1x256xi32, #tpu.memory_space<vmem>>
      %scatter3A_219 = tpu.memref_squeeze %scatter3A_218 : memref<1x256xi32, #tpu.memory_space<vmem>> -> memref<256xi32, #tpu.memory_space<vmem>>
      tpu.vector_store_idx %scatter3A_219[%add3A_215], %get3A_202 : memref<256xi32, #tpu.memory_space<vmem>>[vector<16xi32>], vector<16xi32>,
      %add3A_220 = arith.constant 1 : i32
      %add3A_221 = vector.broadcast %add3A_220 : i32 to vector<16xi32>
      %add3A_222 = arith.addi %add3A_215, %add3A_221 : vector<16xi32>
      %scatter3A_223 = arith.constant 0 : i32
      %scatter3A_224 = arith.constant 0 : i32
      %scatter3A_225 = tpu.memref_slice %arg8[%scatter3A_223, %scatter3A_224] : memref<4x256xi32, #tpu.memory_space<vmem>> -> memref<1x256xi32, #tpu.memory_space<vmem>>
      %scatter3A_226 = tpu.memref_squeeze %scatter3A_225 : memref<1x256xi32, #tpu.memory_space<vmem>> -> memref<256xi32, #tpu.memory_space<vmem>>
      tpu.vector_store_idx %scatter3A_226[%add3A_222], %add3A_209 : memref<256xi32, #tpu.memory_space<vmem>>[vector<16xi32>], vector<16xi32>,
      %add3A_227 = arith.constant 80 : i32
      %add3A_228 = arith.addi %mul3A_88, %add3A_227 : i32
      %get3A_229 = arith.index_cast %add3A_228 : i32 to index
      %get3A_230 = tpu.vector_load %arg6[%get3A_229] {strides = array<i32>} : memref<25600xi32, #tpu.memory_space<vmem>>, vector<16xi32>,
      %add3A_231 = arith.constant 80 : i32
      %add3A_232 = arith.addi %mul3A_88, %add3A_231 : i32
      %get3A_233 = arith.index_cast %add3A_232 : i32 to index
      %get3A_234 = tpu.vector_load %arg7[%get3A_233] {strides = array<i32>} : memref<25600xi32, #tpu.memory_space<vmem>>, vector<16xi32>,
      %add3A_235 = arith.constant 3001 : i32
      %add3A_236 = vector.broadcast %add3A_235 : i32 to vector<16xi32>
      %add3A_237 = arith.addi %get3A_234, %add3A_236 : vector<16xi32>
      %mul3A_238 = arith.constant 2 : i32
      %mul3A_239 = vector.broadcast %mul3A_238 : i32 to vector<16xi32>
      %mul3A_240 = arith.muli %iota3A, %mul3A_239 : vector<16xi32>
      %add3A_241 = arith.constant 160 : i32
      %add3A_242 = vector.broadcast %add3A_241 : i32 to vector<16xi32>
      %add3A_243 = arith.addi %add3A_242, %mul3A_240 : vector<16xi32>
      %scatter3A_244 = arith.constant 0 : i32
      %scatter3A_245 = arith.constant 0 : i32
      %scatter3A_246 = tpu.memref_slice %arg8[%scatter3A_244, %scatter3A_245] : memref<4x256xi32, #tpu.memory_space<vmem>> -> memref<1x256xi32, #tpu.memory_space<vmem>>
      %scatter3A_247 = tpu.memref_squeeze %scatter3A_246 : memref<1x256xi32, #tpu.memory_space<vmem>> -> memref<256xi32, #tpu.memory_space<vmem>>
      tpu.vector_store_idx %scatter3A_247[%add3A_243], %get3A_230 : memref<256xi32, #tpu.memory_space<vmem>>[vector<16xi32>], vector<16xi32>,
      %add3A_248 = arith.constant 1 : i32
      %add3A_249 = vector.broadcast %add3A_248 : i32 to vector<16xi32>
      %add3A_250 = arith.addi %add3A_243, %add3A_249 : vector<16xi32>
      %scatter3A_251 = arith.constant 0 : i32
      %scatter3A_252 = arith.constant 0 : i32
      %scatter3A_253 = tpu.memref_slice %arg8[%scatter3A_251, %scatter3A_252] : memref<4x256xi32, #tpu.memory_space<vmem>> -> memref<1x256xi32, #tpu.memory_space<vmem>>
      %scatter3A_254 = tpu.memref_squeeze %scatter3A_253 : memref<1x256xi32, #tpu.memory_space<vmem>> -> memref<256xi32, #tpu.memory_space<vmem>>
      tpu.vector_store_idx %scatter3A_254[%add3A_250], %add3A_237 : memref<256xi32, #tpu.memory_space<vmem>>[vector<16xi32>], vector<16xi32>,
      %add3A_255 = arith.constant 96 : i32
      %add3A_256 = arith.addi %mul3A_88, %add3A_255 : i32
      %get3A_257 = arith.index_cast %add3A_256 : i32 to index
      %get3A_258 = tpu.vector_load %arg6[%get3A_257] {strides = array<i32>} : memref<25600xi32, #tpu.memory_space<vmem>>, vector<16xi32>,
      %add3A_259 = arith.constant 96 : i32
      %add3A_260 = arith.addi %mul3A_88, %add3A_259 : i32
      %get3A_261 = arith.index_cast %add3A_260 : i32 to index
      %get3A_262 = tpu.vector_load %arg7[%get3A_261] {strides = array<i32>} : memref<25600xi32, #tpu.memory_space<vmem>>, vector<16xi32>,
      %add3A_263 = arith.constant 3001 : i32
      %add3A_264 = vector.broadcast %add3A_263 : i32 to vector<16xi32>
      %add3A_265 = arith.addi %get3A_262, %add3A_264 : vector<16xi32>
      %mul3A_266 = arith.constant 2 : i32
      %mul3A_267 = vector.broadcast %mul3A_266 : i32 to vector<16xi32>
      %mul3A_268 = arith.muli %iota3A, %mul3A_267 : vector<16xi32>
      %add3A_269 = arith.constant 192 : i32
      %add3A_270 = vector.broadcast %add3A_269 : i32 to vector<16xi32>
      %add3A_271 = arith.addi %add3A_270, %mul3A_268 : vector<16xi32>
      %scatter3A_272 = arith.constant 0 : i32
      %scatter3A_273 = arith.constant 0 : i32
      %scatter3A_274 = tpu.memref_slice %arg8[%scatter3A_272, %scatter3A_273] : memref<4x256xi32, #tpu.memory_space<vmem>> -> memref<1x256xi32, #tpu.memory_space<vmem>>
      %scatter3A_275 = tpu.memref_squeeze %scatter3A_274 : memref<1x256xi32, #tpu.memory_space<vmem>> -> memref<256xi32, #tpu.memory_space<vmem>>
      tpu.vector_store_idx %scatter3A_275[%add3A_271], %get3A_258 : memref<256xi32, #tpu.memory_space<vmem>>[vector<16xi32>], vector<16xi32>,
      %add3A_276 = arith.constant 1 : i32
      %add3A_277 = vector.broadcast %add3A_276 : i32 to vector<16xi32>
      %add3A_278 = arith.addi %add3A_271, %add3A_277 : vector<16xi32>
      %scatter3A_279 = arith.constant 0 : i32
      %scatter3A_280 = arith.constant 0 : i32
      %scatter3A_281 = tpu.memref_slice %arg8[%scatter3A_279, %scatter3A_280] : memref<4x256xi32, #tpu.memory_space<vmem>> -> memref<1x256xi32, #tpu.memory_space<vmem>>
      %scatter3A_282 = tpu.memref_squeeze %scatter3A_281 : memref<1x256xi32, #tpu.memory_space<vmem>> -> memref<256xi32, #tpu.memory_space<vmem>>
      tpu.vector_store_idx %scatter3A_282[%add3A_278], %add3A_265 : memref<256xi32, #tpu.memory_space<vmem>>[vector<16xi32>], vector<16xi32>,
      %add3A_283 = arith.constant 112 : i32
      %add3A_284 = arith.addi %mul3A_88, %add3A_283 : i32
      %get3A_285 = arith.index_cast %add3A_284 : i32 to index
      %get3A_286 = tpu.vector_load %arg6[%get3A_285] {strides = array<i32>} : memref<25600xi32, #tpu.memory_space<vmem>>, vector<16xi32>,
      %add3A_287 = arith.constant 112 : i32
      %add3A_288 = arith.addi %mul3A_88, %add3A_287 : i32
      %get3A_289 = arith.index_cast %add3A_288 : i32 to index
      %get3A_290 = tpu.vector_load %arg7[%get3A_289] {strides = array<i32>} : memref<25600xi32, #tpu.memory_space<vmem>>, vector<16xi32>,
      %add3A_291 = arith.constant 3001 : i32
      %add3A_292 = vector.broadcast %add3A_291 : i32 to vector<16xi32>
      %add3A_293 = arith.addi %get3A_290, %add3A_292 : vector<16xi32>
      %mul3A_294 = arith.constant 2 : i32
      %mul3A_295 = vector.broadcast %mul3A_294 : i32 to vector<16xi32>
      %mul3A_296 = arith.muli %iota3A, %mul3A_295 : vector<16xi32>
      %add3A_297 = arith.constant 224 : i32
      %add3A_298 = vector.broadcast %add3A_297 : i32 to vector<16xi32>
      %add3A_299 = arith.addi %add3A_298, %mul3A_296 : vector<16xi32>
      %scatter3A_300 = arith.constant 0 : i32
      %scatter3A_301 = arith.constant 0 : i32
      %scatter3A_302 = tpu.memref_slice %arg8[%scatter3A_300, %scatter3A_301] : memref<4x256xi32, #tpu.memory_space<vmem>> -> memref<1x256xi32, #tpu.memory_space<vmem>>
      %scatter3A_303 = tpu.memref_squeeze %scatter3A_302 : memref<1x256xi32, #tpu.memory_space<vmem>> -> memref<256xi32, #tpu.memory_space<vmem>>
      tpu.vector_store_idx %scatter3A_303[%add3A_299], %get3A_286 : memref<256xi32, #tpu.memory_space<vmem>>[vector<16xi32>], vector<16xi32>,
      %add3A_304 = arith.constant 1 : i32
      %add3A_305 = vector.broadcast %add3A_304 : i32 to vector<16xi32>
      %add3A_306 = arith.addi %add3A_299, %add3A_305 : vector<16xi32>
      %scatter3A_307 = arith.constant 0 : i32
      %scatter3A_308 = arith.constant 0 : i32
      %scatter3A_309 = tpu.memref_slice %arg8[%scatter3A_307, %scatter3A_308] : memref<4x256xi32, #tpu.memory_space<vmem>> -> memref<1x256xi32, #tpu.memory_space<vmem>>
      %scatter3A_310 = tpu.memref_squeeze %scatter3A_309 : memref<1x256xi32, #tpu.memory_space<vmem>> -> memref<256xi32, #tpu.memory_space<vmem>>
      tpu.vector_store_idx %scatter3A_310[%add3A_306], %add3A_293 : memref<256xi32, #tpu.memory_space<vmem>>[vector<16xi32>], vector<16xi32>,
      %gt3A = arith.constant 0 : i32
      %gt3A_311 = arith.cmpi sgt, %scan3A_81, %gt3A : i32
      %convert_element_type3A_312 = arith.extui %gt3A_311 : i1 to i32
      %cond3A_313 = arith.constant 0 : i32
      %cond3A_314 = arith.cmpi ne, %convert_element_type3A_312, %cond3A_313 : i32
      scf.if %cond3A_314 {
        %dma_wait3A_1205 = arith.constant 0 : i32
        %dma_wait3A_1206 = arith.constant 0 : i32
        %dma_wait3A_1207 = arith.constant 0 : i32
        %dma_wait3A_1208 = tpu.memref_slice %arg9[%dma_wait3A_1205, %dma_wait3A_1206, %dma_wait3A_1207] : memref<4x256x64xf32, #tpu.memory_space<vmem>> -> memref<1x256x64xf32, #tpu.memory_space<vmem>>
        %dma_wait3A_1209 = tpu.memref_squeeze %dma_wait3A_1208 : memref<1x256x64xf32, #tpu.memory_space<vmem>> -> memref<256x64xf32, #tpu.memory_space<vmem>>
        %dma_wait3A_1210 = arith.constant 0 : i32
        %dma_wait3A_1211 = arith.constant 0 : i32
        %dma_wait3A_1212 = tpu.memref_slice %arg5[%dma_wait3A_1210, %dma_wait3A_1211] : memref<1638400x64xf32, #tpu.memory_space<hbm>> -> memref<256x64xf32, #tpu.memory_space<hbm>>
        %dma_wait3A_1213 = arith.constant 0 : i32
        %dma_wait3A_1214 = arith.constant 0 : i32
        %dma_wait3A_1215 = tpu.memref_slice %arg9[%dma_wait3A_1205, %dma_wait3A_1213, %dma_wait3A_1214] : memref<4x256x64xf32, #tpu.memory_space<vmem>> -> memref<1x256x64xf32, #tpu.memory_space<vmem>>
        %dma_wait3A_1216 = tpu.memref_squeeze %dma_wait3A_1215 : memref<1x256x64xf32, #tpu.memory_space<vmem>> -> memref<256x64xf32, #tpu.memory_space<vmem>>
        %dma_wait3A_1217 = arith.constant 0 : i32
        %dma_wait3A_1218 = arith.constant 0 : i32
        %dma_wait3A_1219 = tpu.memref_slice %arg5[%dma_wait3A_1217, %dma_wait3A_1218] : memref<1638400x64xf32, #tpu.memory_space<hbm>> -> memref<256x64xf32, #tpu.memory_space<hbm>>
        tpu.wait_dma2 semaphore(%arg16 : memref<!tpu.dma_semaphore, #tpu.memory_space<semaphore_mem>>) src(%dma_wait3A_1219 : memref<256x64xf32, #tpu.memory_space<hbm>>) dst(%dma_wait3A_1216 : memref<256x64xf32, #tpu.memory_space<vmem>>)
      } else {
      }
      %dma_start3A_315 = arith.constant 0 : i32
      %dma_start3A_316 = arith.constant 0 : i32
      %dma_start3A_317 = arith.constant 0 : i32
      %dma_start3A_318 = arith.constant 0 : i32
      %dma_start3A_319 = tpu.memref_slice %arg9[%dma_start3A_316, %dma_start3A_317, %dma_start3A_318] : memref<4x256x64xf32, #tpu.memory_space<vmem>> -> memref<1x256x64xf32, #tpu.memory_space<vmem>>
      %dma_start3A_320 = tpu.memref_squeeze %dma_start3A_319 : memref<1x256x64xf32, #tpu.memory_space<vmem>> -> memref<256x64xf32, #tpu.memory_space<vmem>>
      %dma_start3A_321 = arith.constant 0 : i32
      %dma_start3A_322 = tpu.memref_slice %arg8[%dma_start3A_315, %dma_start3A_321] : memref<4x256xi32, #tpu.memory_space<vmem>> -> memref<1x256xi32, #tpu.memory_space<vmem>>
      %dma_start3A_323 = tpu.memref_squeeze %dma_start3A_322 : memref<1x256xi32, #tpu.memory_space<vmem>> -> memref<256xi32, #tpu.memory_space<vmem>>
      %dma_start3A_324 = arith.constant 0 : i32
      %dma_start3A_325 = arith.constant 0 : i32
      %dma_start3A_326 = tpu.memref_slice %arg10[%dma_start3A_324, %dma_start3A_325] : memref<3004x64xf32, #tpu.memory_space<vmem_shared>> -> memref<3004x64xf32, #tpu.memory_space<vmem_shared>>
      tpu.enqueue_indirect_dma source(%dma_start3A_326 : memref<3004x64xf32, #tpu.memory_space<vmem_shared>>) target(%dma_start3A_320 : memref<256x64xf32, #tpu.memory_space<vmem>>) offsets(%dma_start3A_323 : memref<256xi32, #tpu.memory_space<vmem>>) semaphore(%arg12 : memref<!tpu.dma_semaphore, #tpu.memory_space<semaphore_mem>>)
      %mul3A_327 = arith.constant 4 : i32
      %mul3A_328 = arith.muli %scan3A_81, %mul3A_327 : i32
      %add3A_329 = arith.constant 1 : i32
      %add3A_330 = arith.addi %mul3A_328, %add3A_329 : i32
      %mul3A_331 = arith.constant 128 : i32
      %mul3A_332 = arith.muli %add3A_330, %mul3A_331 : i32
      %add3A_333 = arith.constant 0 : i32
      %add3A_334 = arith.addi %mul3A_332, %add3A_333 : i32
      %get3A_335 = arith.index_cast %add3A_334 : i32 to index
      %get3A_336 = tpu.vector_load %arg6[%get3A_335] {strides = array<i32>} : memref<25600xi32, #tpu.memory_space<vmem>>, vector<16xi32>,
      %add3A_337 = arith.constant 0 : i32
      %add3A_338 = arith.addi %mul3A_332, %add3A_337 : i32
      %get3A_339 = arith.index_cast %add3A_338 : i32 to index
      %get3A_340 = tpu.vector_load %arg7[%get3A_339] {strides = array<i32>} : memref<25600xi32, #tpu.memory_space<vmem>>, vector<16xi32>,
      %add3A_341 = arith.constant 3001 : i32
      %add3A_342 = vector.broadcast %add3A_341 : i32 to vector<16xi32>
      %add3A_343 = arith.addi %get3A_340, %add3A_342 : vector<16xi32>
      %mul3A_344 = arith.constant 2 : i32
      %mul3A_345 = vector.broadcast %mul3A_344 : i32 to vector<16xi32>
      %mul3A_346 = arith.muli %iota3A, %mul3A_345 : vector<16xi32>
      %add3A_347 = arith.constant 0 : i32
      %add3A_348 = vector.broadcast %add3A_347 : i32 to vector<16xi32>
      %add3A_349 = arith.addi %add3A_348, %mul3A_346 : vector<16xi32>
      %scatter3A_350 = arith.constant 1 : i32
      %scatter3A_351 = arith.constant 0 : i32
      %scatter3A_352 = tpu.memref_slice %arg8[%scatter3A_350, %scatter3A_351] : memref<4x256xi32, #tpu.memory_space<vmem>> -> memref<1x256xi32, #tpu.memory_space<vmem>>
      %scatter3A_353 = tpu.memref_squeeze %scatter3A_352 : memref<1x256xi32, #tpu.memory_space<vmem>> -> memref<256xi32, #tpu.memory_space<vmem>>
      tpu.vector_store_idx %scatter3A_353[%add3A_349], %get3A_336 : memref<256xi32, #tpu.memory_space<vmem>>[vector<16xi32>], vector<16xi32>,
      %add3A_354 = arith.constant 1 : i32
      %add3A_355 = vector.broadcast %add3A_354 : i32 to vector<16xi32>
      %add3A_356 = arith.addi %add3A_349, %add3A_355 : vector<16xi32>
      %scatter3A_357 = arith.constant 1 : i32
      %scatter3A_358 = arith.constant 0 : i32
      %scatter3A_359 = tpu.memref_slice %arg8[%scatter3A_357, %scatter3A_358] : memref<4x256xi32, #tpu.memory_space<vmem>> -> memref<1x256xi32, #tpu.memory_space<vmem>>
      %scatter3A_360 = tpu.memref_squeeze %scatter3A_359 : memref<1x256xi32, #tpu.memory_space<vmem>> -> memref<256xi32, #tpu.memory_space<vmem>>
      tpu.vector_store_idx %scatter3A_360[%add3A_356], %add3A_343 : memref<256xi32, #tpu.memory_space<vmem>>[vector<16xi32>], vector<16xi32>,
      %add3A_361 = arith.constant 16 : i32
      %add3A_362 = arith.addi %mul3A_332, %add3A_361 : i32
      %get3A_363 = arith.index_cast %add3A_362 : i32 to index
      %get3A_364 = tpu.vector_load %arg6[%get3A_363] {strides = array<i32>} : memref<25600xi32, #tpu.memory_space<vmem>>, vector<16xi32>,
      %add3A_365 = arith.constant 16 : i32
      %add3A_366 = arith.addi %mul3A_332, %add3A_365 : i32
      %get3A_367 = arith.index_cast %add3A_366 : i32 to index
      %get3A_368 = tpu.vector_load %arg7[%get3A_367] {strides = array<i32>} : memref<25600xi32, #tpu.memory_space<vmem>>, vector<16xi32>,
      %add3A_369 = arith.constant 3001 : i32
      %add3A_370 = vector.broadcast %add3A_369 : i32 to vector<16xi32>
      %add3A_371 = arith.addi %get3A_368, %add3A_370 : vector<16xi32>
      %mul3A_372 = arith.constant 2 : i32
      %mul3A_373 = vector.broadcast %mul3A_372 : i32 to vector<16xi32>
      %mul3A_374 = arith.muli %iota3A, %mul3A_373 : vector<16xi32>
      %add3A_375 = arith.constant 32 : i32
      %add3A_376 = vector.broadcast %add3A_375 : i32 to vector<16xi32>
      %add3A_377 = arith.addi %add3A_376, %mul3A_374 : vector<16xi32>
      %scatter3A_378 = arith.constant 1 : i32
      %scatter3A_379 = arith.constant 0 : i32
      %scatter3A_380 = tpu.memref_slice %arg8[%scatter3A_378, %scatter3A_379] : memref<4x256xi32, #tpu.memory_space<vmem>> -> memref<1x256xi32, #tpu.memory_space<vmem>>
      %scatter3A_381 = tpu.memref_squeeze %scatter3A_380 : memref<1x256xi32, #tpu.memory_space<vmem>> -> memref<256xi32, #tpu.memory_space<vmem>>
      tpu.vector_store_idx %scatter3A_381[%add3A_377], %get3A_364 : memref<256xi32, #tpu.memory_space<vmem>>[vector<16xi32>], vector<16xi32>,
      %add3A_382 = arith.constant 1 : i32
      %add3A_383 = vector.broadcast %add3A_382 : i32 to vector<16xi32>
      %add3A_384 = arith.addi %add3A_377, %add3A_383 : vector<16xi32>
      %scatter3A_385 = arith.constant 1 : i32
      %scatter3A_386 = arith.constant 0 : i32
      %scatter3A_387 = tpu.memref_slice %arg8[%scatter3A_385, %scatter3A_386] : memref<4x256xi32, #tpu.memory_space<vmem>> -> memref<1x256xi32, #tpu.memory_space<vmem>>
      %scatter3A_388 = tpu.memref_squeeze %scatter3A_387 : memref<1x256xi32, #tpu.memory_space<vmem>> -> memref<256xi32, #tpu.memory_space<vmem>>
      tpu.vector_store_idx %scatter3A_388[%add3A_384], %add3A_371 : memref<256xi32, #tpu.memory_space<vmem>>[vector<16xi32>], vector<16xi32>,
      %add3A_389 = arith.constant 32 : i32
      %add3A_390 = arith.addi %mul3A_332, %add3A_389 : i32
      %get3A_391 = arith.index_cast %add3A_390 : i32 to index
      %get3A_392 = tpu.vector_load %arg6[%get3A_391] {strides = array<i32>} : memref<25600xi32, #tpu.memory_space<vmem>>, vector<16xi32>,
      %add3A_393 = arith.constant 32 : i32
      %add3A_394 = arith.addi %mul3A_332, %add3A_393 : i32
      %get3A_395 = arith.index_cast %add3A_394 : i32 to index
      %get3A_396 = tpu.vector_load %arg7[%get3A_395] {strides = array<i32>} : memref<25600xi32, #tpu.memory_space<vmem>>, vector<16xi32>,
      %add3A_397 = arith.constant 3001 : i32
      %add3A_398 = vector.broadcast %add3A_397 : i32 to vector<16xi32>
      %add3A_399 = arith.addi %get3A_396, %add3A_398 : vector<16xi32>
      %mul3A_400 = arith.constant 2 : i32
      %mul3A_401 = vector.broadcast %mul3A_400 : i32 to vector<16xi32>
      %mul3A_402 = arith.muli %iota3A, %mul3A_401 : vector<16xi32>
      %add3A_403 = arith.constant 64 : i32
      %add3A_404 = vector.broadcast %add3A_403 : i32 to vector<16xi32>
      %add3A_405 = arith.addi %add3A_404, %mul3A_402 : vector<16xi32>
      %scatter3A_406 = arith.constant 1 : i32
      %scatter3A_407 = arith.constant 0 : i32
      %scatter3A_408 = tpu.memref_slice %arg8[%scatter3A_406, %scatter3A_407] : memref<4x256xi32, #tpu.memory_space<vmem>> -> memref<1x256xi32, #tpu.memory_space<vmem>>
      %scatter3A_409 = tpu.memref_squeeze %scatter3A_408 : memref<1x256xi32, #tpu.memory_space<vmem>> -> memref<256xi32, #tpu.memory_space<vmem>>
      tpu.vector_store_idx %scatter3A_409[%add3A_405], %get3A_392 : memref<256xi32, #tpu.memory_space<vmem>>[vector<16xi32>], vector<16xi32>,
      %add3A_410 = arith.constant 1 : i32
      %add3A_411 = vector.broadcast %add3A_410 : i32 to vector<16xi32>
      %add3A_412 = arith.addi %add3A_405, %add3A_411 : vector<16xi32>
      %scatter3A_413 = arith.constant 1 : i32
      %scatter3A_414 = arith.constant 0 : i32
      %scatter3A_415 = tpu.memref_slice %arg8[%scatter3A_413, %scatter3A_414] : memref<4x256xi32, #tpu.memory_space<vmem>> -> memref<1x256xi32, #tpu.memory_space<vmem>>
      %scatter3A_416 = tpu.memref_squeeze %scatter3A_415 : memref<1x256xi32, #tpu.memory_space<vmem>> -> memref<256xi32, #tpu.memory_space<vmem>>
      tpu.vector_store_idx %scatter3A_416[%add3A_412], %add3A_399 : memref<256xi32, #tpu.memory_space<vmem>>[vector<16xi32>], vector<16xi32>,
      %add3A_417 = arith.constant 48 : i32
      %add3A_418 = arith.addi %mul3A_332, %add3A_417 : i32
      %get3A_419 = arith.index_cast %add3A_418 : i32 to index
      %get3A_420 = tpu.vector_load %arg6[%get3A_419] {strides = array<i32>} : memref<25600xi32, #tpu.memory_space<vmem>>, vector<16xi32>,
      %add3A_421 = arith.constant 48 : i32
      %add3A_422 = arith.addi %mul3A_332, %add3A_421 : i32
      %get3A_423 = arith.index_cast %add3A_422 : i32 to index
      %get3A_424 = tpu.vector_load %arg7[%get3A_423] {strides = array<i32>} : memref<25600xi32, #tpu.memory_space<vmem>>, vector<16xi32>,
      %add3A_425 = arith.constant 3001 : i32
      %add3A_426 = vector.broadcast %add3A_425 : i32 to vector<16xi32>
      %add3A_427 = arith.addi %get3A_424, %add3A_426 : vector<16xi32>
      %mul3A_428 = arith.constant 2 : i32
      %mul3A_429 = vector.broadcast %mul3A_428 : i32 to vector<16xi32>
      %mul3A_430 = arith.muli %iota3A, %mul3A_429 : vector<16xi32>
      %add3A_431 = arith.constant 96 : i32
      %add3A_432 = vector.broadcast %add3A_431 : i32 to vector<16xi32>
      %add3A_433 = arith.addi %add3A_432, %mul3A_430 : vector<16xi32>
      %scatter3A_434 = arith.constant 1 : i32
      %scatter3A_435 = arith.constant 0 : i32
      %scatter3A_436 = tpu.memref_slice %arg8[%scatter3A_434, %scatter3A_435] : memref<4x256xi32, #tpu.memory_space<vmem>> -> memref<1x256xi32, #tpu.memory_space<vmem>>
      %scatter3A_437 = tpu.memref_squeeze %scatter3A_436 : memref<1x256xi32, #tpu.memory_space<vmem>> -> memref<256xi32, #tpu.memory_space<vmem>>
      tpu.vector_store_idx %scatter3A_437[%add3A_433], %get3A_420 : memref<256xi32, #tpu.memory_space<vmem>>[vector<16xi32>], vector<16xi32>,
      %add3A_438 = arith.constant 1 : i32
      %add3A_439 = vector.broadcast %add3A_438 : i32 to vector<16xi32>
      %add3A_440 = arith.addi %add3A_433, %add3A_439 : vector<16xi32>
      %scatter3A_441 = arith.constant 1 : i32
      %scatter3A_442 = arith.constant 0 : i32
      %scatter3A_443 = tpu.memref_slice %arg8[%scatter3A_441, %scatter3A_442] : memref<4x256xi32, #tpu.memory_space<vmem>> -> memref<1x256xi32, #tpu.memory_space<vmem>>
      %scatter3A_444 = tpu.memref_squeeze %scatter3A_443 : memref<1x256xi32, #tpu.memory_space<vmem>> -> memref<256xi32, #tpu.memory_space<vmem>>
      tpu.vector_store_idx %scatter3A_444[%add3A_440], %add3A_427 : memref<256xi32, #tpu.memory_space<vmem>>[vector<16xi32>], vector<16xi32>,
      %add3A_445 = arith.constant 64 : i32
      %add3A_446 = arith.addi %mul3A_332, %add3A_445 : i32
      %get3A_447 = arith.index_cast %add3A_446 : i32 to index
      %get3A_448 = tpu.vector_load %arg6[%get3A_447] {strides = array<i32>} : memref<25600xi32, #tpu.memory_space<vmem>>, vector<16xi32>,
      %add3A_449 = arith.constant 64 : i32
      %add3A_450 = arith.addi %mul3A_332, %add3A_449 : i32
      %get3A_451 = arith.index_cast %add3A_450 : i32 to index
      %get3A_452 = tpu.vector_load %arg7[%get3A_451] {strides = array<i32>} : memref<25600xi32, #tpu.memory_space<vmem>>, vector<16xi32>,
      %add3A_453 = arith.constant 3001 : i32
      %add3A_454 = vector.broadcast %add3A_453 : i32 to vector<16xi32>
      %add3A_455 = arith.addi %get3A_452, %add3A_454 : vector<16xi32>
      %mul3A_456 = arith.constant 2 : i32
      %mul3A_457 = vector.broadcast %mul3A_456 : i32 to vector<16xi32>
      %mul3A_458 = arith.muli %iota3A, %mul3A_457 : vector<16xi32>
      %add3A_459 = arith.constant 128 : i32
      %add3A_460 = vector.broadcast %add3A_459 : i32 to vector<16xi32>
      %add3A_461 = arith.addi %add3A_460, %mul3A_458 : vector<16xi32>
      %scatter3A_462 = arith.constant 1 : i32
      %scatter3A_463 = arith.constant 0 : i32
      %scatter3A_464 = tpu.memref_slice %arg8[%scatter3A_462, %scatter3A_463] : memref<4x256xi32, #tpu.memory_space<vmem>> -> memref<1x256xi32, #tpu.memory_space<vmem>>
      %scatter3A_465 = tpu.memref_squeeze %scatter3A_464 : memref<1x256xi32, #tpu.memory_space<vmem>> -> memref<256xi32, #tpu.memory_space<vmem>>
      tpu.vector_store_idx %scatter3A_465[%add3A_461], %get3A_448 : memref<256xi32, #tpu.memory_space<vmem>>[vector<16xi32>], vector<16xi32>,
      %add3A_466 = arith.constant 1 : i32
      %add3A_467 = vector.broadcast %add3A_466 : i32 to vector<16xi32>
      %add3A_468 = arith.addi %add3A_461, %add3A_467 : vector<16xi32>
      %scatter3A_469 = arith.constant 1 : i32
      %scatter3A_470 = arith.constant 0 : i32
      %scatter3A_471 = tpu.memref_slice %arg8[%scatter3A_469, %scatter3A_470] : memref<4x256xi32, #tpu.memory_space<vmem>> -> memref<1x256xi32, #tpu.memory_space<vmem>>
      %scatter3A_472 = tpu.memref_squeeze %scatter3A_471 : memref<1x256xi32, #tpu.memory_space<vmem>> -> memref<256xi32, #tpu.memory_space<vmem>>
      tpu.vector_store_idx %scatter3A_472[%add3A_468], %add3A_455 : memref<256xi32, #tpu.memory_space<vmem>>[vector<16xi32>], vector<16xi32>,
      %add3A_473 = arith.constant 80 : i32
      %add3A_474 = arith.addi %mul3A_332, %add3A_473 : i32
      %get3A_475 = arith.index_cast %add3A_474 : i32 to index
      %get3A_476 = tpu.vector_load %arg6[%get3A_475] {strides = array<i32>} : memref<25600xi32, #tpu.memory_space<vmem>>, vector<16xi32>,
      %add3A_477 = arith.constant 80 : i32
      %add3A_478 = arith.addi %mul3A_332, %add3A_477 : i32
      %get3A_479 = arith.index_cast %add3A_478 : i32 to index
      %get3A_480 = tpu.vector_load %arg7[%get3A_479] {strides = array<i32>} : memref<25600xi32, #tpu.memory_space<vmem>>, vector<16xi32>,
      %add3A_481 = arith.constant 3001 : i32
      %add3A_482 = vector.broadcast %add3A_481 : i32 to vector<16xi32>
      %add3A_483 = arith.addi %get3A_480, %add3A_482 : vector<16xi32>
      %mul3A_484 = arith.constant 2 : i32
      %mul3A_485 = vector.broadcast %mul3A_484 : i32 to vector<16xi32>
      %mul3A_486 = arith.muli %iota3A, %mul3A_485 : vector<16xi32>
      %add3A_487 = arith.constant 160 : i32
      %add3A_488 = vector.broadcast %add3A_487 : i32 to vector<16xi32>
      %add3A_489 = arith.addi %add3A_488, %mul3A_486 : vector<16xi32>
      %scatter3A_490 = arith.constant 1 : i32
      %scatter3A_491 = arith.constant 0 : i32
      %scatter3A_492 = tpu.memref_slice %arg8[%scatter3A_490, %scatter3A_491] : memref<4x256xi32, #tpu.memory_space<vmem>> -> memref<1x256xi32, #tpu.memory_space<vmem>>
      %scatter3A_493 = tpu.memref_squeeze %scatter3A_492 : memref<1x256xi32, #tpu.memory_space<vmem>> -> memref<256xi32, #tpu.memory_space<vmem>>
      tpu.vector_store_idx %scatter3A_493[%add3A_489], %get3A_476 : memref<256xi32, #tpu.memory_space<vmem>>[vector<16xi32>], vector<16xi32>,
      %add3A_494 = arith.constant 1 : i32
      %add3A_495 = vector.broadcast %add3A_494 : i32 to vector<16xi32>
      %add3A_496 = arith.addi %add3A_489, %add3A_495 : vector<16xi32>
      %scatter3A_497 = arith.constant 1 : i32
      %scatter3A_498 = arith.constant 0 : i32
      %scatter3A_499 = tpu.memref_slice %arg8[%scatter3A_497, %scatter3A_498] : memref<4x256xi32, #tpu.memory_space<vmem>> -> memref<1x256xi32, #tpu.memory_space<vmem>>
      %scatter3A_500 = tpu.memref_squeeze %scatter3A_499 : memref<1x256xi32, #tpu.memory_space<vmem>> -> memref<256xi32, #tpu.memory_space<vmem>>
      tpu.vector_store_idx %scatter3A_500[%add3A_496], %add3A_483 : memref<256xi32, #tpu.memory_space<vmem>>[vector<16xi32>], vector<16xi32>,
      %add3A_501 = arith.constant 96 : i32
      %add3A_502 = arith.addi %mul3A_332, %add3A_501 : i32
      %get3A_503 = arith.index_cast %add3A_502 : i32 to index
      %get3A_504 = tpu.vector_load %arg6[%get3A_503] {strides = array<i32>} : memref<25600xi32, #tpu.memory_space<vmem>>, vector<16xi32>,
      %add3A_505 = arith.constant 96 : i32
      %add3A_506 = arith.addi %mul3A_332, %add3A_505 : i32
      %get3A_507 = arith.index_cast %add3A_506 : i32 to index
      %get3A_508 = tpu.vector_load %arg7[%get3A_507] {strides = array<i32>} : memref<25600xi32, #tpu.memory_space<vmem>>, vector<16xi32>,
      %add3A_509 = arith.constant 3001 : i32
      %add3A_510 = vector.broadcast %add3A_509 : i32 to vector<16xi32>
      %add3A_511 = arith.addi %get3A_508, %add3A_510 : vector<16xi32>
      %mul3A_512 = arith.constant 2 : i32
      %mul3A_513 = vector.broadcast %mul3A_512 : i32 to vector<16xi32>
      %mul3A_514 = arith.muli %iota3A, %mul3A_513 : vector<16xi32>
      %add3A_515 = arith.constant 192 : i32
      %add3A_516 = vector.broadcast %add3A_515 : i32 to vector<16xi32>
      %add3A_517 = arith.addi %add3A_516, %mul3A_514 : vector<16xi32>
      %scatter3A_518 = arith.constant 1 : i32
      %scatter3A_519 = arith.constant 0 : i32
      %scatter3A_520 = tpu.memref_slice %arg8[%scatter3A_518, %scatter3A_519] : memref<4x256xi32, #tpu.memory_space<vmem>> -> memref<1x256xi32, #tpu.memory_space<vmem>>
      %scatter3A_521 = tpu.memref_squeeze %scatter3A_520 : memref<1x256xi32, #tpu.memory_space<vmem>> -> memref<256xi32, #tpu.memory_space<vmem>>
      tpu.vector_store_idx %scatter3A_521[%add3A_517], %get3A_504 : memref<256xi32, #tpu.memory_space<vmem>>[vector<16xi32>], vector<16xi32>,
      %add3A_522 = arith.constant 1 : i32
      %add3A_523 = vector.broadcast %add3A_522 : i32 to vector<16xi32>
      %add3A_524 = arith.addi %add3A_517, %add3A_523 : vector<16xi32>
      %scatter3A_525 = arith.constant 1 : i32
      %scatter3A_526 = arith.constant 0 : i32
      %scatter3A_527 = tpu.memref_slice %arg8[%scatter3A_525, %scatter3A_526] : memref<4x256xi32, #tpu.memory_space<vmem>> -> memref<1x256xi32, #tpu.memory_space<vmem>>
      %scatter3A_528 = tpu.memref_squeeze %scatter3A_527 : memref<1x256xi32, #tpu.memory_space<vmem>> -> memref<256xi32, #tpu.memory_space<vmem>>
      tpu.vector_store_idx %scatter3A_528[%add3A_524], %add3A_511 : memref<256xi32, #tpu.memory_space<vmem>>[vector<16xi32>], vector<16xi32>,
      %add3A_529 = arith.constant 112 : i32
      %add3A_530 = arith.addi %mul3A_332, %add3A_529 : i32
      %get3A_531 = arith.index_cast %add3A_530 : i32 to index
      %get3A_532 = tpu.vector_load %arg6[%get3A_531] {strides = array<i32>} : memref<25600xi32, #tpu.memory_space<vmem>>, vector<16xi32>,
      %add3A_533 = arith.constant 112 : i32
      %add3A_534 = arith.addi %mul3A_332, %add3A_533 : i32
      %get3A_535 = arith.index_cast %add3A_534 : i32 to index
      %get3A_536 = tpu.vector_load %arg7[%get3A_535] {strides = array<i32>} : memref<25600xi32, #tpu.memory_space<vmem>>, vector<16xi32>,
      %add3A_537 = arith.constant 3001 : i32
      %add3A_538 = vector.broadcast %add3A_537 : i32 to vector<16xi32>
      %add3A_539 = arith.addi %get3A_536, %add3A_538 : vector<16xi32>
      %mul3A_540 = arith.constant 2 : i32
      %mul3A_541 = vector.broadcast %mul3A_540 : i32 to vector<16xi32>
      %mul3A_542 = arith.muli %iota3A, %mul3A_541 : vector<16xi32>
      %add3A_543 = arith.constant 224 : i32
      %add3A_544 = vector.broadcast %add3A_543 : i32 to vector<16xi32>
      %add3A_545 = arith.addi %add3A_544, %mul3A_542 : vector<16xi32>
      %scatter3A_546 = arith.constant 1 : i32
      %scatter3A_547 = arith.constant 0 : i32
      %scatter3A_548 = tpu.memref_slice %arg8[%scatter3A_546, %scatter3A_547] : memref<4x256xi32, #tpu.memory_space<vmem>> -> memref<1x256xi32, #tpu.memory_space<vmem>>
      %scatter3A_549 = tpu.memref_squeeze %scatter3A_548 : memref<1x256xi32, #tpu.memory_space<vmem>> -> memref<256xi32, #tpu.memory_space<vmem>>
      tpu.vector_store_idx %scatter3A_549[%add3A_545], %get3A_532 : memref<256xi32, #tpu.memory_space<vmem>>[vector<16xi32>], vector<16xi32>,
      %add3A_550 = arith.constant 1 : i32
      %add3A_551 = vector.broadcast %add3A_550 : i32 to vector<16xi32>
      %add3A_552 = arith.addi %add3A_545, %add3A_551 : vector<16xi32>
      %scatter3A_553 = arith.constant 1 : i32
      %scatter3A_554 = arith.constant 0 : i32
      %scatter3A_555 = tpu.memref_slice %arg8[%scatter3A_553, %scatter3A_554] : memref<4x256xi32, #tpu.memory_space<vmem>> -> memref<1x256xi32, #tpu.memory_space<vmem>>
      %scatter3A_556 = tpu.memref_squeeze %scatter3A_555 : memref<1x256xi32, #tpu.memory_space<vmem>> -> memref<256xi32, #tpu.memory_space<vmem>>
      tpu.vector_store_idx %scatter3A_556[%add3A_552], %add3A_539 : memref<256xi32, #tpu.memory_space<vmem>>[vector<16xi32>], vector<16xi32>,
      %gt3A_557 = arith.constant 0 : i32
      %gt3A_558 = arith.cmpi sgt, %scan3A_81, %gt3A_557 : i32
      %convert_element_type3A_559 = arith.extui %gt3A_558 : i1 to i32
      %cond3A_560 = arith.constant 0 : i32
      %cond3A_561 = arith.cmpi ne, %convert_element_type3A_559, %cond3A_560 : i32
      scf.if %cond3A_561 {
        %dma_wait3A_1205 = arith.constant 1 : i32
        %dma_wait3A_1206 = arith.constant 0 : i32
        %dma_wait3A_1207 = arith.constant 0 : i32
        %dma_wait3A_1208 = tpu.memref_slice %arg9[%dma_wait3A_1205, %dma_wait3A_1206, %dma_wait3A_1207] : memref<4x256x64xf32, #tpu.memory_space<vmem>> -> memref<1x256x64xf32, #tpu.memory_space<vmem>>
        %dma_wait3A_1209 = tpu.memref_squeeze %dma_wait3A_1208 : memref<1x256x64xf32, #tpu.memory_space<vmem>> -> memref<256x64xf32, #tpu.memory_space<vmem>>
        %dma_wait3A_1210 = arith.constant 0 : i32
        %dma_wait3A_1211 = arith.constant 0 : i32
        %dma_wait3A_1212 = tpu.memref_slice %arg5[%dma_wait3A_1210, %dma_wait3A_1211] : memref<1638400x64xf32, #tpu.memory_space<hbm>> -> memref<256x64xf32, #tpu.memory_space<hbm>>
        %dma_wait3A_1213 = arith.constant 0 : i32
        %dma_wait3A_1214 = arith.constant 0 : i32
        %dma_wait3A_1215 = tpu.memref_slice %arg9[%dma_wait3A_1205, %dma_wait3A_1213, %dma_wait3A_1214] : memref<4x256x64xf32, #tpu.memory_space<vmem>> -> memref<1x256x64xf32, #tpu.memory_space<vmem>>
        %dma_wait3A_1216 = tpu.memref_squeeze %dma_wait3A_1215 : memref<1x256x64xf32, #tpu.memory_space<vmem>> -> memref<256x64xf32, #tpu.memory_space<vmem>>
        %dma_wait3A_1217 = arith.constant 0 : i32
        %dma_wait3A_1218 = arith.constant 0 : i32
        %dma_wait3A_1219 = tpu.memref_slice %arg5[%dma_wait3A_1217, %dma_wait3A_1218] : memref<1638400x64xf32, #tpu.memory_space<hbm>> -> memref<256x64xf32, #tpu.memory_space<hbm>>
        tpu.wait_dma2 semaphore(%arg17 : memref<!tpu.dma_semaphore, #tpu.memory_space<semaphore_mem>>) src(%dma_wait3A_1219 : memref<256x64xf32, #tpu.memory_space<hbm>>) dst(%dma_wait3A_1216 : memref<256x64xf32, #tpu.memory_space<vmem>>)
      } else {
      }
      %dma_start3A_562 = arith.constant 1 : i32
      %dma_start3A_563 = arith.constant 1 : i32
      %dma_start3A_564 = arith.constant 0 : i32
      %dma_start3A_565 = arith.constant 0 : i32
      %dma_start3A_566 = tpu.memref_slice %arg9[%dma_start3A_563, %dma_start3A_564, %dma_start3A_565] : memref<4x256x64xf32, #tpu.memory_space<vmem>> -> memref<1x256x64xf32, #tpu.memory_space<vmem>>
      %dma_start3A_567 = tpu.memref_squeeze %dma_start3A_566 : memref<1x256x64xf32, #tpu.memory_space<vmem>> -> memref<256x64xf32, #tpu.memory_space<vmem>>
      %dma_start3A_568 = arith.constant 0 : i32
      %dma_start3A_569 = tpu.memref_slice %arg8[%dma_start3A_562, %dma_start3A_568] : memref<4x256xi32, #tpu.memory_space<vmem>> -> memref<1x256xi32, #tpu.memory_space<vmem>>
      %dma_start3A_570 = tpu.memref_squeeze %dma_start3A_569 : memref<1x256xi32, #tpu.memory_space<vmem>> -> memref<256xi32, #tpu.memory_space<vmem>>
      %dma_start3A_571 = arith.constant 0 : i32
      %dma_start3A_572 = arith.constant 0 : i32
      %dma_start3A_573 = tpu.memref_slice %arg10[%dma_start3A_571, %dma_start3A_572] : memref<3004x64xf32, #tpu.memory_space<vmem_shared>> -> memref<3004x64xf32, #tpu.memory_space<vmem_shared>>
      tpu.enqueue_indirect_dma source(%dma_start3A_573 : memref<3004x64xf32, #tpu.memory_space<vmem_shared>>) target(%dma_start3A_567 : memref<256x64xf32, #tpu.memory_space<vmem>>) offsets(%dma_start3A_570 : memref<256xi32, #tpu.memory_space<vmem>>) semaphore(%arg13 : memref<!tpu.dma_semaphore, #tpu.memory_space<semaphore_mem>>)
      %mul3A_574 = arith.constant 4 : i32
      %mul3A_575 = arith.muli %scan3A_81, %mul3A_574 : i32
      %add3A_576 = arith.constant 2 : i32
      %add3A_577 = arith.addi %mul3A_575, %add3A_576 : i32
      %mul3A_578 = arith.constant 128 : i32
      %mul3A_579 = arith.muli %add3A_577, %mul3A_578 : i32
      %add3A_580 = arith.constant 0 : i32
      %add3A_581 = arith.addi %mul3A_579, %add3A_580 : i32
      %get3A_582 = arith.index_cast %add3A_581 : i32 to index
      %get3A_583 = tpu.vector_load %arg6[%get3A_582] {strides = array<i32>} : memref<25600xi32, #tpu.memory_space<vmem>>, vector<16xi32>,
      %add3A_584 = arith.constant 0 : i32
      %add3A_585 = arith.addi %mul3A_579, %add3A_584 : i32
      %get3A_586 = arith.index_cast %add3A_585 : i32 to index
      %get3A_587 = tpu.vector_load %arg7[%get3A_586] {strides = array<i32>} : memref<25600xi32, #tpu.memory_space<vmem>>, vector<16xi32>,
      %add3A_588 = arith.constant 3001 : i32
      %add3A_589 = vector.broadcast %add3A_588 : i32 to vector<16xi32>
      %add3A_590 = arith.addi %get3A_587, %add3A_589 : vector<16xi32>
      %mul3A_591 = arith.constant 2 : i32
      %mul3A_592 = vector.broadcast %mul3A_591 : i32 to vector<16xi32>
      %mul3A_593 = arith.muli %iota3A, %mul3A_592 : vector<16xi32>
      %add3A_594 = arith.constant 0 : i32
      %add3A_595 = vector.broadcast %add3A_594 : i32 to vector<16xi32>
      %add3A_596 = arith.addi %add3A_595, %mul3A_593 : vector<16xi32>
      %scatter3A_597 = arith.constant 2 : i32
      %scatter3A_598 = arith.constant 0 : i32
      %scatter3A_599 = tpu.memref_slice %arg8[%scatter3A_597, %scatter3A_598] : memref<4x256xi32, #tpu.memory_space<vmem>> -> memref<1x256xi32, #tpu.memory_space<vmem>>
      %scatter3A_600 = tpu.memref_squeeze %scatter3A_599 : memref<1x256xi32, #tpu.memory_space<vmem>> -> memref<256xi32, #tpu.memory_space<vmem>>
      tpu.vector_store_idx %scatter3A_600[%add3A_596], %get3A_583 : memref<256xi32, #tpu.memory_space<vmem>>[vector<16xi32>], vector<16xi32>,
      %add3A_601 = arith.constant 1 : i32
      %add3A_602 = vector.broadcast %add3A_601 : i32 to vector<16xi32>
      %add3A_603 = arith.addi %add3A_596, %add3A_602 : vector<16xi32>
      %scatter3A_604 = arith.constant 2 : i32
      %scatter3A_605 = arith.constant 0 : i32
      %scatter3A_606 = tpu.memref_slice %arg8[%scatter3A_604, %scatter3A_605] : memref<4x256xi32, #tpu.memory_space<vmem>> -> memref<1x256xi32, #tpu.memory_space<vmem>>
      %scatter3A_607 = tpu.memref_squeeze %scatter3A_606 : memref<1x256xi32, #tpu.memory_space<vmem>> -> memref<256xi32, #tpu.memory_space<vmem>>
      tpu.vector_store_idx %scatter3A_607[%add3A_603], %add3A_590 : memref<256xi32, #tpu.memory_space<vmem>>[vector<16xi32>], vector<16xi32>,
      %add3A_608 = arith.constant 16 : i32
      %add3A_609 = arith.addi %mul3A_579, %add3A_608 : i32
      %get3A_610 = arith.index_cast %add3A_609 : i32 to index
      %get3A_611 = tpu.vector_load %arg6[%get3A_610] {strides = array<i32>} : memref<25600xi32, #tpu.memory_space<vmem>>, vector<16xi32>,
      %add3A_612 = arith.constant 16 : i32
      %add3A_613 = arith.addi %mul3A_579, %add3A_612 : i32
      %get3A_614 = arith.index_cast %add3A_613 : i32 to index
      %get3A_615 = tpu.vector_load %arg7[%get3A_614] {strides = array<i32>} : memref<25600xi32, #tpu.memory_space<vmem>>, vector<16xi32>,
      %add3A_616 = arith.constant 3001 : i32
      %add3A_617 = vector.broadcast %add3A_616 : i32 to vector<16xi32>
      %add3A_618 = arith.addi %get3A_615, %add3A_617 : vector<16xi32>
      %mul3A_619 = arith.constant 2 : i32
      %mul3A_620 = vector.broadcast %mul3A_619 : i32 to vector<16xi32>
      %mul3A_621 = arith.muli %iota3A, %mul3A_620 : vector<16xi32>
      %add3A_622 = arith.constant 32 : i32
      %add3A_623 = vector.broadcast %add3A_622 : i32 to vector<16xi32>
      %add3A_624 = arith.addi %add3A_623, %mul3A_621 : vector<16xi32>
      %scatter3A_625 = arith.constant 2 : i32
      %scatter3A_626 = arith.constant 0 : i32
      %scatter3A_627 = tpu.memref_slice %arg8[%scatter3A_625, %scatter3A_626] : memref<4x256xi32, #tpu.memory_space<vmem>> -> memref<1x256xi32, #tpu.memory_space<vmem>>
      %scatter3A_628 = tpu.memref_squeeze %scatter3A_627 : memref<1x256xi32, #tpu.memory_space<vmem>> -> memref<256xi32, #tpu.memory_space<vmem>>
      tpu.vector_store_idx %scatter3A_628[%add3A_624], %get3A_611 : memref<256xi32, #tpu.memory_space<vmem>>[vector<16xi32>], vector<16xi32>,
      %add3A_629 = arith.constant 1 : i32
      %add3A_630 = vector.broadcast %add3A_629 : i32 to vector<16xi32>
      %add3A_631 = arith.addi %add3A_624, %add3A_630 : vector<16xi32>
      %scatter3A_632 = arith.constant 2 : i32
      %scatter3A_633 = arith.constant 0 : i32
      %scatter3A_634 = tpu.memref_slice %arg8[%scatter3A_632, %scatter3A_633] : memref<4x256xi32, #tpu.memory_space<vmem>> -> memref<1x256xi32, #tpu.memory_space<vmem>>
      %scatter3A_635 = tpu.memref_squeeze %scatter3A_634 : memref<1x256xi32, #tpu.memory_space<vmem>> -> memref<256xi32, #tpu.memory_space<vmem>>
      tpu.vector_store_idx %scatter3A_635[%add3A_631], %add3A_618 : memref<256xi32, #tpu.memory_space<vmem>>[vector<16xi32>], vector<16xi32>,
      %add3A_636 = arith.constant 32 : i32
      %add3A_637 = arith.addi %mul3A_579, %add3A_636 : i32
      %get3A_638 = arith.index_cast %add3A_637 : i32 to index
      %get3A_639 = tpu.vector_load %arg6[%get3A_638] {strides = array<i32>} : memref<25600xi32, #tpu.memory_space<vmem>>, vector<16xi32>,
      %add3A_640 = arith.constant 32 : i32
      %add3A_641 = arith.addi %mul3A_579, %add3A_640 : i32
      %get3A_642 = arith.index_cast %add3A_641 : i32 to index
      %get3A_643 = tpu.vector_load %arg7[%get3A_642] {strides = array<i32>} : memref<25600xi32, #tpu.memory_space<vmem>>, vector<16xi32>,
      %add3A_644 = arith.constant 3001 : i32
      %add3A_645 = vector.broadcast %add3A_644 : i32 to vector<16xi32>
      %add3A_646 = arith.addi %get3A_643, %add3A_645 : vector<16xi32>
      %mul3A_647 = arith.constant 2 : i32
      %mul3A_648 = vector.broadcast %mul3A_647 : i32 to vector<16xi32>
      %mul3A_649 = arith.muli %iota3A, %mul3A_648 : vector<16xi32>
      %add3A_650 = arith.constant 64 : i32
      %add3A_651 = vector.broadcast %add3A_650 : i32 to vector<16xi32>
      %add3A_652 = arith.addi %add3A_651, %mul3A_649 : vector<16xi32>
      %scatter3A_653 = arith.constant 2 : i32
      %scatter3A_654 = arith.constant 0 : i32
      %scatter3A_655 = tpu.memref_slice %arg8[%scatter3A_653, %scatter3A_654] : memref<4x256xi32, #tpu.memory_space<vmem>> -> memref<1x256xi32, #tpu.memory_space<vmem>>
      %scatter3A_656 = tpu.memref_squeeze %scatter3A_655 : memref<1x256xi32, #tpu.memory_space<vmem>> -> memref<256xi32, #tpu.memory_space<vmem>>
      tpu.vector_store_idx %scatter3A_656[%add3A_652], %get3A_639 : memref<256xi32, #tpu.memory_space<vmem>>[vector<16xi32>], vector<16xi32>,
      %add3A_657 = arith.constant 1 : i32
      %add3A_658 = vector.broadcast %add3A_657 : i32 to vector<16xi32>
      %add3A_659 = arith.addi %add3A_652, %add3A_658 : vector<16xi32>
      %scatter3A_660 = arith.constant 2 : i32
      %scatter3A_661 = arith.constant 0 : i32
      %scatter3A_662 = tpu.memref_slice %arg8[%scatter3A_660, %scatter3A_661] : memref<4x256xi32, #tpu.memory_space<vmem>> -> memref<1x256xi32, #tpu.memory_space<vmem>>
      %scatter3A_663 = tpu.memref_squeeze %scatter3A_662 : memref<1x256xi32, #tpu.memory_space<vmem>> -> memref<256xi32, #tpu.memory_space<vmem>>
      tpu.vector_store_idx %scatter3A_663[%add3A_659], %add3A_646 : memref<256xi32, #tpu.memory_space<vmem>>[vector<16xi32>], vector<16xi32>,
      %add3A_664 = arith.constant 48 : i32
      %add3A_665 = arith.addi %mul3A_579, %add3A_664 : i32
      %get3A_666 = arith.index_cast %add3A_665 : i32 to index
      %get3A_667 = tpu.vector_load %arg6[%get3A_666] {strides = array<i32>} : memref<25600xi32, #tpu.memory_space<vmem>>, vector<16xi32>,
      %add3A_668 = arith.constant 48 : i32
      %add3A_669 = arith.addi %mul3A_579, %add3A_668 : i32
      %get3A_670 = arith.index_cast %add3A_669 : i32 to index
      %get3A_671 = tpu.vector_load %arg7[%get3A_670] {strides = array<i32>} : memref<25600xi32, #tpu.memory_space<vmem>>, vector<16xi32>,
      %add3A_672 = arith.constant 3001 : i32
      %add3A_673 = vector.broadcast %add3A_672 : i32 to vector<16xi32>
      %add3A_674 = arith.addi %get3A_671, %add3A_673 : vector<16xi32>
      %mul3A_675 = arith.constant 2 : i32
      %mul3A_676 = vector.broadcast %mul3A_675 : i32 to vector<16xi32>
      %mul3A_677 = arith.muli %iota3A, %mul3A_676 : vector<16xi32>
      %add3A_678 = arith.constant 96 : i32
      %add3A_679 = vector.broadcast %add3A_678 : i32 to vector<16xi32>
      %add3A_680 = arith.addi %add3A_679, %mul3A_677 : vector<16xi32>
      %scatter3A_681 = arith.constant 2 : i32
      %scatter3A_682 = arith.constant 0 : i32
      %scatter3A_683 = tpu.memref_slice %arg8[%scatter3A_681, %scatter3A_682] : memref<4x256xi32, #tpu.memory_space<vmem>> -> memref<1x256xi32, #tpu.memory_space<vmem>>
      %scatter3A_684 = tpu.memref_squeeze %scatter3A_683 : memref<1x256xi32, #tpu.memory_space<vmem>> -> memref<256xi32, #tpu.memory_space<vmem>>
      tpu.vector_store_idx %scatter3A_684[%add3A_680], %get3A_667 : memref<256xi32, #tpu.memory_space<vmem>>[vector<16xi32>], vector<16xi32>,
      %add3A_685 = arith.constant 1 : i32
      %add3A_686 = vector.broadcast %add3A_685 : i32 to vector<16xi32>
      %add3A_687 = arith.addi %add3A_680, %add3A_686 : vector<16xi32>
      %scatter3A_688 = arith.constant 2 : i32
      %scatter3A_689 = arith.constant 0 : i32
      %scatter3A_690 = tpu.memref_slice %arg8[%scatter3A_688, %scatter3A_689] : memref<4x256xi32, #tpu.memory_space<vmem>> -> memref<1x256xi32, #tpu.memory_space<vmem>>
      %scatter3A_691 = tpu.memref_squeeze %scatter3A_690 : memref<1x256xi32, #tpu.memory_space<vmem>> -> memref<256xi32, #tpu.memory_space<vmem>>
      tpu.vector_store_idx %scatter3A_691[%add3A_687], %add3A_674 : memref<256xi32, #tpu.memory_space<vmem>>[vector<16xi32>], vector<16xi32>,
      %add3A_692 = arith.constant 64 : i32
      %add3A_693 = arith.addi %mul3A_579, %add3A_692 : i32
      %get3A_694 = arith.index_cast %add3A_693 : i32 to index
      %get3A_695 = tpu.vector_load %arg6[%get3A_694] {strides = array<i32>} : memref<25600xi32, #tpu.memory_space<vmem>>, vector<16xi32>,
      %add3A_696 = arith.constant 64 : i32
      %add3A_697 = arith.addi %mul3A_579, %add3A_696 : i32
      %get3A_698 = arith.index_cast %add3A_697 : i32 to index
      %get3A_699 = tpu.vector_load %arg7[%get3A_698] {strides = array<i32>} : memref<25600xi32, #tpu.memory_space<vmem>>, vector<16xi32>,
      %add3A_700 = arith.constant 3001 : i32
      %add3A_701 = vector.broadcast %add3A_700 : i32 to vector<16xi32>
      %add3A_702 = arith.addi %get3A_699, %add3A_701 : vector<16xi32>
      %mul3A_703 = arith.constant 2 : i32
      %mul3A_704 = vector.broadcast %mul3A_703 : i32 to vector<16xi32>
      %mul3A_705 = arith.muli %iota3A, %mul3A_704 : vector<16xi32>
      %add3A_706 = arith.constant 128 : i32
      %add3A_707 = vector.broadcast %add3A_706 : i32 to vector<16xi32>
      %add3A_708 = arith.addi %add3A_707, %mul3A_705 : vector<16xi32>
      %scatter3A_709 = arith.constant 2 : i32
      %scatter3A_710 = arith.constant 0 : i32
      %scatter3A_711 = tpu.memref_slice %arg8[%scatter3A_709, %scatter3A_710] : memref<4x256xi32, #tpu.memory_space<vmem>> -> memref<1x256xi32, #tpu.memory_space<vmem>>
      %scatter3A_712 = tpu.memref_squeeze %scatter3A_711 : memref<1x256xi32, #tpu.memory_space<vmem>> -> memref<256xi32, #tpu.memory_space<vmem>>
      tpu.vector_store_idx %scatter3A_712[%add3A_708], %get3A_695 : memref<256xi32, #tpu.memory_space<vmem>>[vector<16xi32>], vector<16xi32>,
      %add3A_713 = arith.constant 1 : i32
      %add3A_714 = vector.broadcast %add3A_713 : i32 to vector<16xi32>
      %add3A_715 = arith.addi %add3A_708, %add3A_714 : vector<16xi32>
      %scatter3A_716 = arith.constant 2 : i32
      %scatter3A_717 = arith.constant 0 : i32
      %scatter3A_718 = tpu.memref_slice %arg8[%scatter3A_716, %scatter3A_717] : memref<4x256xi32, #tpu.memory_space<vmem>> -> memref<1x256xi32, #tpu.memory_space<vmem>>
      %scatter3A_719 = tpu.memref_squeeze %scatter3A_718 : memref<1x256xi32, #tpu.memory_space<vmem>> -> memref<256xi32, #tpu.memory_space<vmem>>
      tpu.vector_store_idx %scatter3A_719[%add3A_715], %add3A_702 : memref<256xi32, #tpu.memory_space<vmem>>[vector<16xi32>], vector<16xi32>,
      %add3A_720 = arith.constant 80 : i32
      %add3A_721 = arith.addi %mul3A_579, %add3A_720 : i32
      %get3A_722 = arith.index_cast %add3A_721 : i32 to index
      %get3A_723 = tpu.vector_load %arg6[%get3A_722] {strides = array<i32>} : memref<25600xi32, #tpu.memory_space<vmem>>, vector<16xi32>,
      %add3A_724 = arith.constant 80 : i32
      %add3A_725 = arith.addi %mul3A_579, %add3A_724 : i32
      %get3A_726 = arith.index_cast %add3A_725 : i32 to index
      %get3A_727 = tpu.vector_load %arg7[%get3A_726] {strides = array<i32>} : memref<25600xi32, #tpu.memory_space<vmem>>, vector<16xi32>,
      %add3A_728 = arith.constant 3001 : i32
      %add3A_729 = vector.broadcast %add3A_728 : i32 to vector<16xi32>
      %add3A_730 = arith.addi %get3A_727, %add3A_729 : vector<16xi32>
      %mul3A_731 = arith.constant 2 : i32
      %mul3A_732 = vector.broadcast %mul3A_731 : i32 to vector<16xi32>
      %mul3A_733 = arith.muli %iota3A, %mul3A_732 : vector<16xi32>
      %add3A_734 = arith.constant 160 : i32
      %add3A_735 = vector.broadcast %add3A_734 : i32 to vector<16xi32>
      %add3A_736 = arith.addi %add3A_735, %mul3A_733 : vector<16xi32>
      %scatter3A_737 = arith.constant 2 : i32
      %scatter3A_738 = arith.constant 0 : i32
      %scatter3A_739 = tpu.memref_slice %arg8[%scatter3A_737, %scatter3A_738] : memref<4x256xi32, #tpu.memory_space<vmem>> -> memref<1x256xi32, #tpu.memory_space<vmem>>
      %scatter3A_740 = tpu.memref_squeeze %scatter3A_739 : memref<1x256xi32, #tpu.memory_space<vmem>> -> memref<256xi32, #tpu.memory_space<vmem>>
      tpu.vector_store_idx %scatter3A_740[%add3A_736], %get3A_723 : memref<256xi32, #tpu.memory_space<vmem>>[vector<16xi32>], vector<16xi32>,
      %add3A_741 = arith.constant 1 : i32
      %add3A_742 = vector.broadcast %add3A_741 : i32 to vector<16xi32>
      %add3A_743 = arith.addi %add3A_736, %add3A_742 : vector<16xi32>
      %scatter3A_744 = arith.constant 2 : i32
      %scatter3A_745 = arith.constant 0 : i32
      %scatter3A_746 = tpu.memref_slice %arg8[%scatter3A_744, %scatter3A_745] : memref<4x256xi32, #tpu.memory_space<vmem>> -> memref<1x256xi32, #tpu.memory_space<vmem>>
      %scatter3A_747 = tpu.memref_squeeze %scatter3A_746 : memref<1x256xi32, #tpu.memory_space<vmem>> -> memref<256xi32, #tpu.memory_space<vmem>>
      tpu.vector_store_idx %scatter3A_747[%add3A_743], %add3A_730 : memref<256xi32, #tpu.memory_space<vmem>>[vector<16xi32>], vector<16xi32>,
      %add3A_748 = arith.constant 96 : i32
      %add3A_749 = arith.addi %mul3A_579, %add3A_748 : i32
      %get3A_750 = arith.index_cast %add3A_749 : i32 to index
      %get3A_751 = tpu.vector_load %arg6[%get3A_750] {strides = array<i32>} : memref<25600xi32, #tpu.memory_space<vmem>>, vector<16xi32>,
      %add3A_752 = arith.constant 96 : i32
      %add3A_753 = arith.addi %mul3A_579, %add3A_752 : i32
      %get3A_754 = arith.index_cast %add3A_753 : i32 to index
      %get3A_755 = tpu.vector_load %arg7[%get3A_754] {strides = array<i32>} : memref<25600xi32, #tpu.memory_space<vmem>>, vector<16xi32>,
      %add3A_756 = arith.constant 3001 : i32
      %add3A_757 = vector.broadcast %add3A_756 : i32 to vector<16xi32>
      %add3A_758 = arith.addi %get3A_755, %add3A_757 : vector<16xi32>
      %mul3A_759 = arith.constant 2 : i32
      %mul3A_760 = vector.broadcast %mul3A_759 : i32 to vector<16xi32>
      %mul3A_761 = arith.muli %iota3A, %mul3A_760 : vector<16xi32>
      %add3A_762 = arith.constant 192 : i32
      %add3A_763 = vector.broadcast %add3A_762 : i32 to vector<16xi32>
      %add3A_764 = arith.addi %add3A_763, %mul3A_761 : vector<16xi32>
      %scatter3A_765 = arith.constant 2 : i32
      %scatter3A_766 = arith.constant 0 : i32
      %scatter3A_767 = tpu.memref_slice %arg8[%scatter3A_765, %scatter3A_766] : memref<4x256xi32, #tpu.memory_space<vmem>> -> memref<1x256xi32, #tpu.memory_space<vmem>>
      %scatter3A_768 = tpu.memref_squeeze %scatter3A_767 : memref<1x256xi32, #tpu.memory_space<vmem>> -> memref<256xi32, #tpu.memory_space<vmem>>
      tpu.vector_store_idx %scatter3A_768[%add3A_764], %get3A_751 : memref<256xi32, #tpu.memory_space<vmem>>[vector<16xi32>], vector<16xi32>,
      %add3A_769 = arith.constant 1 : i32
      %add3A_770 = vector.broadcast %add3A_769 : i32 to vector<16xi32>
      %add3A_771 = arith.addi %add3A_764, %add3A_770 : vector<16xi32>
      %scatter3A_772 = arith.constant 2 : i32
      %scatter3A_773 = arith.constant 0 : i32
      %scatter3A_774 = tpu.memref_slice %arg8[%scatter3A_772, %scatter3A_773] : memref<4x256xi32, #tpu.memory_space<vmem>> -> memref<1x256xi32, #tpu.memory_space<vmem>>
      %scatter3A_775 = tpu.memref_squeeze %scatter3A_774 : memref<1x256xi32, #tpu.memory_space<vmem>> -> memref<256xi32, #tpu.memory_space<vmem>>
      tpu.vector_store_idx %scatter3A_775[%add3A_771], %add3A_758 : memref<256xi32, #tpu.memory_space<vmem>>[vector<16xi32>], vector<16xi32>,
      %add3A_776 = arith.constant 112 : i32
      %add3A_777 = arith.addi %mul3A_579, %add3A_776 : i32
      %get3A_778 = arith.index_cast %add3A_777 : i32 to index
      %get3A_779 = tpu.vector_load %arg6[%get3A_778] {strides = array<i32>} : memref<25600xi32, #tpu.memory_space<vmem>>, vector<16xi32>,
      %add3A_780 = arith.constant 112 : i32
      %add3A_781 = arith.addi %mul3A_579, %add3A_780 : i32
      %get3A_782 = arith.index_cast %add3A_781 : i32 to index
      %get3A_783 = tpu.vector_load %arg7[%get3A_782] {strides = array<i32>} : memref<25600xi32, #tpu.memory_space<vmem>>, vector<16xi32>,
      %add3A_784 = arith.constant 3001 : i32
      %add3A_785 = vector.broadcast %add3A_784 : i32 to vector<16xi32>
      %add3A_786 = arith.addi %get3A_783, %add3A_785 : vector<16xi32>
      %mul3A_787 = arith.constant 2 : i32
      %mul3A_788 = vector.broadcast %mul3A_787 : i32 to vector<16xi32>
      %mul3A_789 = arith.muli %iota3A, %mul3A_788 : vector<16xi32>
      %add3A_790 = arith.constant 224 : i32
      %add3A_791 = vector.broadcast %add3A_790 : i32 to vector<16xi32>
      %add3A_792 = arith.addi %add3A_791, %mul3A_789 : vector<16xi32>
      %scatter3A_793 = arith.constant 2 : i32
      %scatter3A_794 = arith.constant 0 : i32
      %scatter3A_795 = tpu.memref_slice %arg8[%scatter3A_793, %scatter3A_794] : memref<4x256xi32, #tpu.memory_space<vmem>> -> memref<1x256xi32, #tpu.memory_space<vmem>>
      %scatter3A_796 = tpu.memref_squeeze %scatter3A_795 : memref<1x256xi32, #tpu.memory_space<vmem>> -> memref<256xi32, #tpu.memory_space<vmem>>
      tpu.vector_store_idx %scatter3A_796[%add3A_792], %get3A_779 : memref<256xi32, #tpu.memory_space<vmem>>[vector<16xi32>], vector<16xi32>,
      %add3A_797 = arith.constant 1 : i32
      %add3A_798 = vector.broadcast %add3A_797 : i32 to vector<16xi32>
      %add3A_799 = arith.addi %add3A_792, %add3A_798 : vector<16xi32>
      %scatter3A_800 = arith.constant 2 : i32
      %scatter3A_801 = arith.constant 0 : i32
      %scatter3A_802 = tpu.memref_slice %arg8[%scatter3A_800, %scatter3A_801] : memref<4x256xi32, #tpu.memory_space<vmem>> -> memref<1x256xi32, #tpu.memory_space<vmem>>
      %scatter3A_803 = tpu.memref_squeeze %scatter3A_802 : memref<1x256xi32, #tpu.memory_space<vmem>> -> memref<256xi32, #tpu.memory_space<vmem>>
      tpu.vector_store_idx %scatter3A_803[%add3A_799], %add3A_786 : memref<256xi32, #tpu.memory_space<vmem>>[vector<16xi32>], vector<16xi32>,
      %gt3A_804 = arith.constant 0 : i32
      %gt3A_805 = arith.cmpi sgt, %scan3A_81, %gt3A_804 : i32
      %convert_element_type3A_806 = arith.extui %gt3A_805 : i1 to i32
      %cond3A_807 = arith.constant 0 : i32
      %cond3A_808 = arith.cmpi ne, %convert_element_type3A_806, %cond3A_807 : i32
      scf.if %cond3A_808 {
        %dma_wait3A_1205 = arith.constant 2 : i32
        %dma_wait3A_1206 = arith.constant 0 : i32
        %dma_wait3A_1207 = arith.constant 0 : i32
        %dma_wait3A_1208 = tpu.memref_slice %arg9[%dma_wait3A_1205, %dma_wait3A_1206, %dma_wait3A_1207] : memref<4x256x64xf32, #tpu.memory_space<vmem>> -> memref<1x256x64xf32, #tpu.memory_space<vmem>>
        %dma_wait3A_1209 = tpu.memref_squeeze %dma_wait3A_1208 : memref<1x256x64xf32, #tpu.memory_space<vmem>> -> memref<256x64xf32, #tpu.memory_space<vmem>>
        %dma_wait3A_1210 = arith.constant 0 : i32
        %dma_wait3A_1211 = arith.constant 0 : i32
        %dma_wait3A_1212 = tpu.memref_slice %arg5[%dma_wait3A_1210, %dma_wait3A_1211] : memref<1638400x64xf32, #tpu.memory_space<hbm>> -> memref<256x64xf32, #tpu.memory_space<hbm>>
        %dma_wait3A_1213 = arith.constant 0 : i32
        %dma_wait3A_1214 = arith.constant 0 : i32
        %dma_wait3A_1215 = tpu.memref_slice %arg9[%dma_wait3A_1205, %dma_wait3A_1213, %dma_wait3A_1214] : memref<4x256x64xf32, #tpu.memory_space<vmem>> -> memref<1x256x64xf32, #tpu.memory_space<vmem>>
        %dma_wait3A_1216 = tpu.memref_squeeze %dma_wait3A_1215 : memref<1x256x64xf32, #tpu.memory_space<vmem>> -> memref<256x64xf32, #tpu.memory_space<vmem>>
        %dma_wait3A_1217 = arith.constant 0 : i32
        %dma_wait3A_1218 = arith.constant 0 : i32
        %dma_wait3A_1219 = tpu.memref_slice %arg5[%dma_wait3A_1217, %dma_wait3A_1218] : memref<1638400x64xf32, #tpu.memory_space<hbm>> -> memref<256x64xf32, #tpu.memory_space<hbm>>
        tpu.wait_dma2 semaphore(%arg18 : memref<!tpu.dma_semaphore, #tpu.memory_space<semaphore_mem>>) src(%dma_wait3A_1219 : memref<256x64xf32, #tpu.memory_space<hbm>>) dst(%dma_wait3A_1216 : memref<256x64xf32, #tpu.memory_space<vmem>>)
      } else {
      }
      %dma_start3A_809 = arith.constant 2 : i32
      %dma_start3A_810 = arith.constant 2 : i32
      %dma_start3A_811 = arith.constant 0 : i32
      %dma_start3A_812 = arith.constant 0 : i32
      %dma_start3A_813 = tpu.memref_slice %arg9[%dma_start3A_810, %dma_start3A_811, %dma_start3A_812] : memref<4x256x64xf32, #tpu.memory_space<vmem>> -> memref<1x256x64xf32, #tpu.memory_space<vmem>>
      %dma_start3A_814 = tpu.memref_squeeze %dma_start3A_813 : memref<1x256x64xf32, #tpu.memory_space<vmem>> -> memref<256x64xf32, #tpu.memory_space<vmem>>
      %dma_start3A_815 = arith.constant 0 : i32
      %dma_start3A_816 = tpu.memref_slice %arg8[%dma_start3A_809, %dma_start3A_815] : memref<4x256xi32, #tpu.memory_space<vmem>> -> memref<1x256xi32, #tpu.memory_space<vmem>>
      %dma_start3A_817 = tpu.memref_squeeze %dma_start3A_816 : memref<1x256xi32, #tpu.memory_space<vmem>> -> memref<256xi32, #tpu.memory_space<vmem>>
      %dma_start3A_818 = arith.constant 0 : i32
      %dma_start3A_819 = arith.constant 0 : i32
      %dma_start3A_820 = tpu.memref_slice %arg10[%dma_start3A_818, %dma_start3A_819] : memref<3004x64xf32, #tpu.memory_space<vmem_shared>> -> memref<3004x64xf32, #tpu.memory_space<vmem_shared>>
      tpu.enqueue_indirect_dma source(%dma_start3A_820 : memref<3004x64xf32, #tpu.memory_space<vmem_shared>>) target(%dma_start3A_814 : memref<256x64xf32, #tpu.memory_space<vmem>>) offsets(%dma_start3A_817 : memref<256xi32, #tpu.memory_space<vmem>>) semaphore(%arg14 : memref<!tpu.dma_semaphore, #tpu.memory_space<semaphore_mem>>)
      %mul3A_821 = arith.constant 4 : i32
      %mul3A_822 = arith.muli %scan3A_81, %mul3A_821 : i32
      %add3A_823 = arith.constant 3 : i32
      %add3A_824 = arith.addi %mul3A_822, %add3A_823 : i32
      %mul3A_825 = arith.constant 128 : i32
      %mul3A_826 = arith.muli %add3A_824, %mul3A_825 : i32
      %add3A_827 = arith.constant 0 : i32
      %add3A_828 = arith.addi %mul3A_826, %add3A_827 : i32
      %get3A_829 = arith.index_cast %add3A_828 : i32 to index
      %get3A_830 = tpu.vector_load %arg6[%get3A_829] {strides = array<i32>} : memref<25600xi32, #tpu.memory_space<vmem>>, vector<16xi32>,
      %add3A_831 = arith.constant 0 : i32
      %add3A_832 = arith.addi %mul3A_826, %add3A_831 : i32
      %get3A_833 = arith.index_cast %add3A_832 : i32 to index
      %get3A_834 = tpu.vector_load %arg7[%get3A_833] {strides = array<i32>} : memref<25600xi32, #tpu.memory_space<vmem>>, vector<16xi32>,
      %add3A_835 = arith.constant 3001 : i32
      %add3A_836 = vector.broadcast %add3A_835 : i32 to vector<16xi32>
      %add3A_837 = arith.addi %get3A_834, %add3A_836 : vector<16xi32>
      %mul3A_838 = arith.constant 2 : i32
      %mul3A_839 = vector.broadcast %mul3A_838 : i32 to vector<16xi32>
      %mul3A_840 = arith.muli %iota3A, %mul3A_839 : vector<16xi32>
      %add3A_841 = arith.constant 0 : i32
      %add3A_842 = vector.broadcast %add3A_841 : i32 to vector<16xi32>
      %add3A_843 = arith.addi %add3A_842, %mul3A_840 : vector<16xi32>
      %scatter3A_844 = arith.constant 3 : i32
      %scatter3A_845 = arith.constant 0 : i32
      %scatter3A_846 = tpu.memref_slice %arg8[%scatter3A_844, %scatter3A_845] : memref<4x256xi32, #tpu.memory_space<vmem>> -> memref<1x256xi32, #tpu.memory_space<vmem>>
      %scatter3A_847 = tpu.memref_squeeze %scatter3A_846 : memref<1x256xi32, #tpu.memory_space<vmem>> -> memref<256xi32, #tpu.memory_space<vmem>>
      tpu.vector_store_idx %scatter3A_847[%add3A_843], %get3A_830 : memref<256xi32, #tpu.memory_space<vmem>>[vector<16xi32>], vector<16xi32>,
      %add3A_848 = arith.constant 1 : i32
      %add3A_849 = vector.broadcast %add3A_848 : i32 to vector<16xi32>
      %add3A_850 = arith.addi %add3A_843, %add3A_849 : vector<16xi32>
      %scatter3A_851 = arith.constant 3 : i32
      %scatter3A_852 = arith.constant 0 : i32
      %scatter3A_853 = tpu.memref_slice %arg8[%scatter3A_851, %scatter3A_852] : memref<4x256xi32, #tpu.memory_space<vmem>> -> memref<1x256xi32, #tpu.memory_space<vmem>>
      %scatter3A_854 = tpu.memref_squeeze %scatter3A_853 : memref<1x256xi32, #tpu.memory_space<vmem>> -> memref<256xi32, #tpu.memory_space<vmem>>
      tpu.vector_store_idx %scatter3A_854[%add3A_850], %add3A_837 : memref<256xi32, #tpu.memory_space<vmem>>[vector<16xi32>], vector<16xi32>,
      %add3A_855 = arith.constant 16 : i32
      %add3A_856 = arith.addi %mul3A_826, %add3A_855 : i32
      %get3A_857 = arith.index_cast %add3A_856 : i32 to index
      %get3A_858 = tpu.vector_load %arg6[%get3A_857] {strides = array<i32>} : memref<25600xi32, #tpu.memory_space<vmem>>, vector<16xi32>,
      %add3A_859 = arith.constant 16 : i32
      %add3A_860 = arith.addi %mul3A_826, %add3A_859 : i32
      %get3A_861 = arith.index_cast %add3A_860 : i32 to index
      %get3A_862 = tpu.vector_load %arg7[%get3A_861] {strides = array<i32>} : memref<25600xi32, #tpu.memory_space<vmem>>, vector<16xi32>,
      %add3A_863 = arith.constant 3001 : i32
      %add3A_864 = vector.broadcast %add3A_863 : i32 to vector<16xi32>
      %add3A_865 = arith.addi %get3A_862, %add3A_864 : vector<16xi32>
      %mul3A_866 = arith.constant 2 : i32
      %mul3A_867 = vector.broadcast %mul3A_866 : i32 to vector<16xi32>
      %mul3A_868 = arith.muli %iota3A, %mul3A_867 : vector<16xi32>
      %add3A_869 = arith.constant 32 : i32
      %add3A_870 = vector.broadcast %add3A_869 : i32 to vector<16xi32>
      %add3A_871 = arith.addi %add3A_870, %mul3A_868 : vector<16xi32>
      %scatter3A_872 = arith.constant 3 : i32
      %scatter3A_873 = arith.constant 0 : i32
      %scatter3A_874 = tpu.memref_slice %arg8[%scatter3A_872, %scatter3A_873] : memref<4x256xi32, #tpu.memory_space<vmem>> -> memref<1x256xi32, #tpu.memory_space<vmem>>
      %scatter3A_875 = tpu.memref_squeeze %scatter3A_874 : memref<1x256xi32, #tpu.memory_space<vmem>> -> memref<256xi32, #tpu.memory_space<vmem>>
      tpu.vector_store_idx %scatter3A_875[%add3A_871], %get3A_858 : memref<256xi32, #tpu.memory_space<vmem>>[vector<16xi32>], vector<16xi32>,
      %add3A_876 = arith.constant 1 : i32
      %add3A_877 = vector.broadcast %add3A_876 : i32 to vector<16xi32>
      %add3A_878 = arith.addi %add3A_871, %add3A_877 : vector<16xi32>
      %scatter3A_879 = arith.constant 3 : i32
      %scatter3A_880 = arith.constant 0 : i32
      %scatter3A_881 = tpu.memref_slice %arg8[%scatter3A_879, %scatter3A_880] : memref<4x256xi32, #tpu.memory_space<vmem>> -> memref<1x256xi32, #tpu.memory_space<vmem>>
      %scatter3A_882 = tpu.memref_squeeze %scatter3A_881 : memref<1x256xi32, #tpu.memory_space<vmem>> -> memref<256xi32, #tpu.memory_space<vmem>>
      tpu.vector_store_idx %scatter3A_882[%add3A_878], %add3A_865 : memref<256xi32, #tpu.memory_space<vmem>>[vector<16xi32>], vector<16xi32>,
      %add3A_883 = arith.constant 32 : i32
      %add3A_884 = arith.addi %mul3A_826, %add3A_883 : i32
      %get3A_885 = arith.index_cast %add3A_884 : i32 to index
      %get3A_886 = tpu.vector_load %arg6[%get3A_885] {strides = array<i32>} : memref<25600xi32, #tpu.memory_space<vmem>>, vector<16xi32>,
      %add3A_887 = arith.constant 32 : i32
      %add3A_888 = arith.addi %mul3A_826, %add3A_887 : i32
      %get3A_889 = arith.index_cast %add3A_888 : i32 to index
      %get3A_890 = tpu.vector_load %arg7[%get3A_889] {strides = array<i32>} : memref<25600xi32, #tpu.memory_space<vmem>>, vector<16xi32>,
      %add3A_891 = arith.constant 3001 : i32
      %add3A_892 = vector.broadcast %add3A_891 : i32 to vector<16xi32>
      %add3A_893 = arith.addi %get3A_890, %add3A_892 : vector<16xi32>
      %mul3A_894 = arith.constant 2 : i32
      %mul3A_895 = vector.broadcast %mul3A_894 : i32 to vector<16xi32>
      %mul3A_896 = arith.muli %iota3A, %mul3A_895 : vector<16xi32>
      %add3A_897 = arith.constant 64 : i32
      %add3A_898 = vector.broadcast %add3A_897 : i32 to vector<16xi32>
      %add3A_899 = arith.addi %add3A_898, %mul3A_896 : vector<16xi32>
      %scatter3A_900 = arith.constant 3 : i32
      %scatter3A_901 = arith.constant 0 : i32
      %scatter3A_902 = tpu.memref_slice %arg8[%scatter3A_900, %scatter3A_901] : memref<4x256xi32, #tpu.memory_space<vmem>> -> memref<1x256xi32, #tpu.memory_space<vmem>>
      %scatter3A_903 = tpu.memref_squeeze %scatter3A_902 : memref<1x256xi32, #tpu.memory_space<vmem>> -> memref<256xi32, #tpu.memory_space<vmem>>
      tpu.vector_store_idx %scatter3A_903[%add3A_899], %get3A_886 : memref<256xi32, #tpu.memory_space<vmem>>[vector<16xi32>], vector<16xi32>,
      %add3A_904 = arith.constant 1 : i32
      %add3A_905 = vector.broadcast %add3A_904 : i32 to vector<16xi32>
      %add3A_906 = arith.addi %add3A_899, %add3A_905 : vector<16xi32>
      %scatter3A_907 = arith.constant 3 : i32
      %scatter3A_908 = arith.constant 0 : i32
      %scatter3A_909 = tpu.memref_slice %arg8[%scatter3A_907, %scatter3A_908] : memref<4x256xi32, #tpu.memory_space<vmem>> -> memref<1x256xi32, #tpu.memory_space<vmem>>
      %scatter3A_910 = tpu.memref_squeeze %scatter3A_909 : memref<1x256xi32, #tpu.memory_space<vmem>> -> memref<256xi32, #tpu.memory_space<vmem>>
      tpu.vector_store_idx %scatter3A_910[%add3A_906], %add3A_893 : memref<256xi32, #tpu.memory_space<vmem>>[vector<16xi32>], vector<16xi32>,
      %add3A_911 = arith.constant 48 : i32
      %add3A_912 = arith.addi %mul3A_826, %add3A_911 : i32
      %get3A_913 = arith.index_cast %add3A_912 : i32 to index
      %get3A_914 = tpu.vector_load %arg6[%get3A_913] {strides = array<i32>} : memref<25600xi32, #tpu.memory_space<vmem>>, vector<16xi32>,
      %add3A_915 = arith.constant 48 : i32
      %add3A_916 = arith.addi %mul3A_826, %add3A_915 : i32
      %get3A_917 = arith.index_cast %add3A_916 : i32 to index
      %get3A_918 = tpu.vector_load %arg7[%get3A_917] {strides = array<i32>} : memref<25600xi32, #tpu.memory_space<vmem>>, vector<16xi32>,
      %add3A_919 = arith.constant 3001 : i32
      %add3A_920 = vector.broadcast %add3A_919 : i32 to vector<16xi32>
      %add3A_921 = arith.addi %get3A_918, %add3A_920 : vector<16xi32>
      %mul3A_922 = arith.constant 2 : i32
      %mul3A_923 = vector.broadcast %mul3A_922 : i32 to vector<16xi32>
      %mul3A_924 = arith.muli %iota3A, %mul3A_923 : vector<16xi32>
      %add3A_925 = arith.constant 96 : i32
      %add3A_926 = vector.broadcast %add3A_925 : i32 to vector<16xi32>
      %add3A_927 = arith.addi %add3A_926, %mul3A_924 : vector<16xi32>
      %scatter3A_928 = arith.constant 3 : i32
      %scatter3A_929 = arith.constant 0 : i32
      %scatter3A_930 = tpu.memref_slice %arg8[%scatter3A_928, %scatter3A_929] : memref<4x256xi32, #tpu.memory_space<vmem>> -> memref<1x256xi32, #tpu.memory_space<vmem>>
      %scatter3A_931 = tpu.memref_squeeze %scatter3A_930 : memref<1x256xi32, #tpu.memory_space<vmem>> -> memref<256xi32, #tpu.memory_space<vmem>>
      tpu.vector_store_idx %scatter3A_931[%add3A_927], %get3A_914 : memref<256xi32, #tpu.memory_space<vmem>>[vector<16xi32>], vector<16xi32>,
      %add3A_932 = arith.constant 1 : i32
      %add3A_933 = vector.broadcast %add3A_932 : i32 to vector<16xi32>
      %add3A_934 = arith.addi %add3A_927, %add3A_933 : vector<16xi32>
      %scatter3A_935 = arith.constant 3 : i32
      %scatter3A_936 = arith.constant 0 : i32
      %scatter3A_937 = tpu.memref_slice %arg8[%scatter3A_935, %scatter3A_936] : memref<4x256xi32, #tpu.memory_space<vmem>> -> memref<1x256xi32, #tpu.memory_space<vmem>>
      %scatter3A_938 = tpu.memref_squeeze %scatter3A_937 : memref<1x256xi32, #tpu.memory_space<vmem>> -> memref<256xi32, #tpu.memory_space<vmem>>
      tpu.vector_store_idx %scatter3A_938[%add3A_934], %add3A_921 : memref<256xi32, #tpu.memory_space<vmem>>[vector<16xi32>], vector<16xi32>,
      %add3A_939 = arith.constant 64 : i32
      %add3A_940 = arith.addi %mul3A_826, %add3A_939 : i32
      %get3A_941 = arith.index_cast %add3A_940 : i32 to index
      %get3A_942 = tpu.vector_load %arg6[%get3A_941] {strides = array<i32>} : memref<25600xi32, #tpu.memory_space<vmem>>, vector<16xi32>,
      %add3A_943 = arith.constant 64 : i32
      %add3A_944 = arith.addi %mul3A_826, %add3A_943 : i32
      %get3A_945 = arith.index_cast %add3A_944 : i32 to index
      %get3A_946 = tpu.vector_load %arg7[%get3A_945] {strides = array<i32>} : memref<25600xi32, #tpu.memory_space<vmem>>, vector<16xi32>,
      %add3A_947 = arith.constant 3001 : i32
      %add3A_948 = vector.broadcast %add3A_947 : i32 to vector<16xi32>
      %add3A_949 = arith.addi %get3A_946, %add3A_948 : vector<16xi32>
      %mul3A_950 = arith.constant 2 : i32
      %mul3A_951 = vector.broadcast %mul3A_950 : i32 to vector<16xi32>
      %mul3A_952 = arith.muli %iota3A, %mul3A_951 : vector<16xi32>
      %add3A_953 = arith.constant 128 : i32
      %add3A_954 = vector.broadcast %add3A_953 : i32 to vector<16xi32>
      %add3A_955 = arith.addi %add3A_954, %mul3A_952 : vector<16xi32>
      %scatter3A_956 = arith.constant 3 : i32
      %scatter3A_957 = arith.constant 0 : i32
      %scatter3A_958 = tpu.memref_slice %arg8[%scatter3A_956, %scatter3A_957] : memref<4x256xi32, #tpu.memory_space<vmem>> -> memref<1x256xi32, #tpu.memory_space<vmem>>
      %scatter3A_959 = tpu.memref_squeeze %scatter3A_958 : memref<1x256xi32, #tpu.memory_space<vmem>> -> memref<256xi32, #tpu.memory_space<vmem>>
      tpu.vector_store_idx %scatter3A_959[%add3A_955], %get3A_942 : memref<256xi32, #tpu.memory_space<vmem>>[vector<16xi32>], vector<16xi32>,
      %add3A_960 = arith.constant 1 : i32
      %add3A_961 = vector.broadcast %add3A_960 : i32 to vector<16xi32>
      %add3A_962 = arith.addi %add3A_955, %add3A_961 : vector<16xi32>
      %scatter3A_963 = arith.constant 3 : i32
      %scatter3A_964 = arith.constant 0 : i32
      %scatter3A_965 = tpu.memref_slice %arg8[%scatter3A_963, %scatter3A_964] : memref<4x256xi32, #tpu.memory_space<vmem>> -> memref<1x256xi32, #tpu.memory_space<vmem>>
      %scatter3A_966 = tpu.memref_squeeze %scatter3A_965 : memref<1x256xi32, #tpu.memory_space<vmem>> -> memref<256xi32, #tpu.memory_space<vmem>>
      tpu.vector_store_idx %scatter3A_966[%add3A_962], %add3A_949 : memref<256xi32, #tpu.memory_space<vmem>>[vector<16xi32>], vector<16xi32>,
      %add3A_967 = arith.constant 80 : i32
      %add3A_968 = arith.addi %mul3A_826, %add3A_967 : i32
      %get3A_969 = arith.index_cast %add3A_968 : i32 to index
      %get3A_970 = tpu.vector_load %arg6[%get3A_969] {strides = array<i32>} : memref<25600xi32, #tpu.memory_space<vmem>>, vector<16xi32>,
      %add3A_971 = arith.constant 80 : i32
      %add3A_972 = arith.addi %mul3A_826, %add3A_971 : i32
      %get3A_973 = arith.index_cast %add3A_972 : i32 to index
      %get3A_974 = tpu.vector_load %arg7[%get3A_973] {strides = array<i32>} : memref<25600xi32, #tpu.memory_space<vmem>>, vector<16xi32>,
      %add3A_975 = arith.constant 3001 : i32
      %add3A_976 = vector.broadcast %add3A_975 : i32 to vector<16xi32>
      %add3A_977 = arith.addi %get3A_974, %add3A_976 : vector<16xi32>
      %mul3A_978 = arith.constant 2 : i32
      %mul3A_979 = vector.broadcast %mul3A_978 : i32 to vector<16xi32>
      %mul3A_980 = arith.muli %iota3A, %mul3A_979 : vector<16xi32>
      %add3A_981 = arith.constant 160 : i32
      %add3A_982 = vector.broadcast %add3A_981 : i32 to vector<16xi32>
      %add3A_983 = arith.addi %add3A_982, %mul3A_980 : vector<16xi32>
      %scatter3A_984 = arith.constant 3 : i32
      %scatter3A_985 = arith.constant 0 : i32
      %scatter3A_986 = tpu.memref_slice %arg8[%scatter3A_984, %scatter3A_985] : memref<4x256xi32, #tpu.memory_space<vmem>> -> memref<1x256xi32, #tpu.memory_space<vmem>>
      %scatter3A_987 = tpu.memref_squeeze %scatter3A_986 : memref<1x256xi32, #tpu.memory_space<vmem>> -> memref<256xi32, #tpu.memory_space<vmem>>
      tpu.vector_store_idx %scatter3A_987[%add3A_983], %get3A_970 : memref<256xi32, #tpu.memory_space<vmem>>[vector<16xi32>], vector<16xi32>,
      %add3A_988 = arith.constant 1 : i32
      %add3A_989 = vector.broadcast %add3A_988 : i32 to vector<16xi32>
      %add3A_990 = arith.addi %add3A_983, %add3A_989 : vector<16xi32>
      %scatter3A_991 = arith.constant 3 : i32
      %scatter3A_992 = arith.constant 0 : i32
      %scatter3A_993 = tpu.memref_slice %arg8[%scatter3A_991, %scatter3A_992] : memref<4x256xi32, #tpu.memory_space<vmem>> -> memref<1x256xi32, #tpu.memory_space<vmem>>
      %scatter3A_994 = tpu.memref_squeeze %scatter3A_993 : memref<1x256xi32, #tpu.memory_space<vmem>> -> memref<256xi32, #tpu.memory_space<vmem>>
      tpu.vector_store_idx %scatter3A_994[%add3A_990], %add3A_977 : memref<256xi32, #tpu.memory_space<vmem>>[vector<16xi32>], vector<16xi32>,
      %add3A_995 = arith.constant 96 : i32
      %add3A_996 = arith.addi %mul3A_826, %add3A_995 : i32
      %get3A_997 = arith.index_cast %add3A_996 : i32 to index
      %get3A_998 = tpu.vector_load %arg6[%get3A_997] {strides = array<i32>} : memref<25600xi32, #tpu.memory_space<vmem>>, vector<16xi32>,
      %add3A_999 = arith.constant 96 : i32
      %add3A_1000 = arith.addi %mul3A_826, %add3A_999 : i32
      %get3A_1001 = arith.index_cast %add3A_1000 : i32 to index
      %get3A_1002 = tpu.vector_load %arg7[%get3A_1001] {strides = array<i32>} : memref<25600xi32, #tpu.memory_space<vmem>>, vector<16xi32>,
      %add3A_1003 = arith.constant 3001 : i32
      %add3A_1004 = vector.broadcast %add3A_1003 : i32 to vector<16xi32>
      %add3A_1005 = arith.addi %get3A_1002, %add3A_1004 : vector<16xi32>
      %mul3A_1006 = arith.constant 2 : i32
      %mul3A_1007 = vector.broadcast %mul3A_1006 : i32 to vector<16xi32>
      %mul3A_1008 = arith.muli %iota3A, %mul3A_1007 : vector<16xi32>
      %add3A_1009 = arith.constant 192 : i32
      %add3A_1010 = vector.broadcast %add3A_1009 : i32 to vector<16xi32>
      %add3A_1011 = arith.addi %add3A_1010, %mul3A_1008 : vector<16xi32>
      %scatter3A_1012 = arith.constant 3 : i32
      %scatter3A_1013 = arith.constant 0 : i32
      %scatter3A_1014 = tpu.memref_slice %arg8[%scatter3A_1012, %scatter3A_1013] : memref<4x256xi32, #tpu.memory_space<vmem>> -> memref<1x256xi32, #tpu.memory_space<vmem>>
      %scatter3A_1015 = tpu.memref_squeeze %scatter3A_1014 : memref<1x256xi32, #tpu.memory_space<vmem>> -> memref<256xi32, #tpu.memory_space<vmem>>
      tpu.vector_store_idx %scatter3A_1015[%add3A_1011], %get3A_998 : memref<256xi32, #tpu.memory_space<vmem>>[vector<16xi32>], vector<16xi32>,
      %add3A_1016 = arith.constant 1 : i32
      %add3A_1017 = vector.broadcast %add3A_1016 : i32 to vector<16xi32>
      %add3A_1018 = arith.addi %add3A_1011, %add3A_1017 : vector<16xi32>
      %scatter3A_1019 = arith.constant 3 : i32
      %scatter3A_1020 = arith.constant 0 : i32
      %scatter3A_1021 = tpu.memref_slice %arg8[%scatter3A_1019, %scatter3A_1020] : memref<4x256xi32, #tpu.memory_space<vmem>> -> memref<1x256xi32, #tpu.memory_space<vmem>>
      %scatter3A_1022 = tpu.memref_squeeze %scatter3A_1021 : memref<1x256xi32, #tpu.memory_space<vmem>> -> memref<256xi32, #tpu.memory_space<vmem>>
      tpu.vector_store_idx %scatter3A_1022[%add3A_1018], %add3A_1005 : memref<256xi32, #tpu.memory_space<vmem>>[vector<16xi32>], vector<16xi32>,
      %add3A_1023 = arith.constant 112 : i32
      %add3A_1024 = arith.addi %mul3A_826, %add3A_1023 : i32
      %get3A_1025 = arith.index_cast %add3A_1024 : i32 to index
      %get3A_1026 = tpu.vector_load %arg6[%get3A_1025] {strides = array<i32>} : memref<25600xi32, #tpu.memory_space<vmem>>, vector<16xi32>,
      %add3A_1027 = arith.constant 112 : i32
      %add3A_1028 = arith.addi %mul3A_826, %add3A_1027 : i32
      %get3A_1029 = arith.index_cast %add3A_1028 : i32 to index
      %get3A_1030 = tpu.vector_load %arg7[%get3A_1029] {strides = array<i32>} : memref<25600xi32, #tpu.memory_space<vmem>>, vector<16xi32>,
      %add3A_1031 = arith.constant 3001 : i32
      %add3A_1032 = vector.broadcast %add3A_1031 : i32 to vector<16xi32>
      %add3A_1033 = arith.addi %get3A_1030, %add3A_1032 : vector<16xi32>
      %mul3A_1034 = arith.constant 2 : i32
      %mul3A_1035 = vector.broadcast %mul3A_1034 : i32 to vector<16xi32>
      %mul3A_1036 = arith.muli %iota3A, %mul3A_1035 : vector<16xi32>
      %add3A_1037 = arith.constant 224 : i32
      %add3A_1038 = vector.broadcast %add3A_1037 : i32 to vector<16xi32>
      %add3A_1039 = arith.addi %add3A_1038, %mul3A_1036 : vector<16xi32>
      %scatter3A_1040 = arith.constant 3 : i32
      %scatter3A_1041 = arith.constant 0 : i32
      %scatter3A_1042 = tpu.memref_slice %arg8[%scatter3A_1040, %scatter3A_1041] : memref<4x256xi32, #tpu.memory_space<vmem>> -> memref<1x256xi32, #tpu.memory_space<vmem>>
      %scatter3A_1043 = tpu.memref_squeeze %scatter3A_1042 : memref<1x256xi32, #tpu.memory_space<vmem>> -> memref<256xi32, #tpu.memory_space<vmem>>
      tpu.vector_store_idx %scatter3A_1043[%add3A_1039], %get3A_1026 : memref<256xi32, #tpu.memory_space<vmem>>[vector<16xi32>], vector<16xi32>,
      %add3A_1044 = arith.constant 1 : i32
      %add3A_1045 = vector.broadcast %add3A_1044 : i32 to vector<16xi32>
      %add3A_1046 = arith.addi %add3A_1039, %add3A_1045 : vector<16xi32>
      %scatter3A_1047 = arith.constant 3 : i32
      %scatter3A_1048 = arith.constant 0 : i32
      %scatter3A_1049 = tpu.memref_slice %arg8[%scatter3A_1047, %scatter3A_1048] : memref<4x256xi32, #tpu.memory_space<vmem>> -> memref<1x256xi32, #tpu.memory_space<vmem>>
      %scatter3A_1050 = tpu.memref_squeeze %scatter3A_1049 : memref<1x256xi32, #tpu.memory_space<vmem>> -> memref<256xi32, #tpu.memory_space<vmem>>
      tpu.vector_store_idx %scatter3A_1050[%add3A_1046], %add3A_1033 : memref<256xi32, #tpu.memory_space<vmem>>[vector<16xi32>], vector<16xi32>,
      %gt3A_1051 = arith.constant 0 : i32
      %gt3A_1052 = arith.cmpi sgt, %scan3A_81, %gt3A_1051 : i32
      %convert_element_type3A_1053 = arith.extui %gt3A_1052 : i1 to i32
      %cond3A_1054 = arith.constant 0 : i32
      %cond3A_1055 = arith.cmpi ne, %convert_element_type3A_1053, %cond3A_1054 : i32
      scf.if %cond3A_1055 {
        %dma_wait3A_1205 = arith.constant 3 : i32
        %dma_wait3A_1206 = arith.constant 0 : i32
        %dma_wait3A_1207 = arith.constant 0 : i32
        %dma_wait3A_1208 = tpu.memref_slice %arg9[%dma_wait3A_1205, %dma_wait3A_1206, %dma_wait3A_1207] : memref<4x256x64xf32, #tpu.memory_space<vmem>> -> memref<1x256x64xf32, #tpu.memory_space<vmem>>
        %dma_wait3A_1209 = tpu.memref_squeeze %dma_wait3A_1208 : memref<1x256x64xf32, #tpu.memory_space<vmem>> -> memref<256x64xf32, #tpu.memory_space<vmem>>
        %dma_wait3A_1210 = arith.constant 0 : i32
        %dma_wait3A_1211 = arith.constant 0 : i32
        %dma_wait3A_1212 = tpu.memref_slice %arg5[%dma_wait3A_1210, %dma_wait3A_1211] : memref<1638400x64xf32, #tpu.memory_space<hbm>> -> memref<256x64xf32, #tpu.memory_space<hbm>>
        %dma_wait3A_1213 = arith.constant 0 : i32
        %dma_wait3A_1214 = arith.constant 0 : i32
        %dma_wait3A_1215 = tpu.memref_slice %arg9[%dma_wait3A_1205, %dma_wait3A_1213, %dma_wait3A_1214] : memref<4x256x64xf32, #tpu.memory_space<vmem>> -> memref<1x256x64xf32, #tpu.memory_space<vmem>>
        %dma_wait3A_1216 = tpu.memref_squeeze %dma_wait3A_1215 : memref<1x256x64xf32, #tpu.memory_space<vmem>> -> memref<256x64xf32, #tpu.memory_space<vmem>>
        %dma_wait3A_1217 = arith.constant 0 : i32
        %dma_wait3A_1218 = arith.constant 0 : i32
        %dma_wait3A_1219 = tpu.memref_slice %arg5[%dma_wait3A_1217, %dma_wait3A_1218] : memref<1638400x64xf32, #tpu.memory_space<hbm>> -> memref<256x64xf32, #tpu.memory_space<hbm>>
        tpu.wait_dma2 semaphore(%arg19 : memref<!tpu.dma_semaphore, #tpu.memory_space<semaphore_mem>>) src(%dma_wait3A_1219 : memref<256x64xf32, #tpu.memory_space<hbm>>) dst(%dma_wait3A_1216 : memref<256x64xf32, #tpu.memory_space<vmem>>)
      } else {
      }
      %dma_start3A_1056 = arith.constant 3 : i32
      %dma_start3A_1057 = arith.constant 3 : i32
      %dma_start3A_1058 = arith.constant 0 : i32
      %dma_start3A_1059 = arith.constant 0 : i32
      %dma_start3A_1060 = tpu.memref_slice %arg9[%dma_start3A_1057, %dma_start3A_1058, %dma_start3A_1059] : memref<4x256x64xf32, #tpu.memory_space<vmem>> -> memref<1x256x64xf32, #tpu.memory_space<vmem>>
      %dma_start3A_1061 = tpu.memref_squeeze %dma_start3A_1060 : memref<1x256x64xf32, #tpu.memory_space<vmem>> -> memref<256x64xf32, #tpu.memory_space<vmem>>
      %dma_start3A_1062 = arith.constant 0 : i32
      %dma_start3A_1063 = tpu.memref_slice %arg8[%dma_start3A_1056, %dma_start3A_1062] : memref<4x256xi32, #tpu.memory_space<vmem>> -> memref<1x256xi32, #tpu.memory_space<vmem>>
      %dma_start3A_1064 = tpu.memref_squeeze %dma_start3A_1063 : memref<1x256xi32, #tpu.memory_space<vmem>> -> memref<256xi32, #tpu.memory_space<vmem>>
      %dma_start3A_1065 = arith.constant 0 : i32
      %dma_start3A_1066 = arith.constant 0 : i32
      %dma_start3A_1067 = tpu.memref_slice %arg10[%dma_start3A_1065, %dma_start3A_1066] : memref<3004x64xf32, #tpu.memory_space<vmem_shared>> -> memref<3004x64xf32, #tpu.memory_space<vmem_shared>>
      tpu.enqueue_indirect_dma source(%dma_start3A_1067 : memref<3004x64xf32, #tpu.memory_space<vmem_shared>>) target(%dma_start3A_1061 : memref<256x64xf32, #tpu.memory_space<vmem>>) offsets(%dma_start3A_1064 : memref<256xi32, #tpu.memory_space<vmem>>) semaphore(%arg15 : memref<!tpu.dma_semaphore, #tpu.memory_space<semaphore_mem>>)
      %mul3A_1068 = arith.constant 4 : i32
      %mul3A_1069 = arith.muli %scan3A_81, %mul3A_1068 : i32
      %add3A_1070 = arith.constant 0 : i32
      %add3A_1071 = arith.addi %mul3A_1069, %add3A_1070 : i32
      %mul3A_1072 = arith.constant 128 : i32
      %mul3A_1073 = arith.muli %add3A_1071, %mul3A_1072 : i32
      %add3A_1074 = arith.addi %mul3A_2, %mul3A_1073 : i32
      %dma_wait3A_1075 = arith.constant 0 : i32
      %dma_wait3A_1076 = arith.constant 0 : i32
      %dma_wait3A_1077 = arith.constant 0 : i32
      %dma_wait3A_1078 = arith.constant 0 : i32
      %dma_wait3A_1079 = tpu.memref_slice %arg9[%dma_wait3A_1076, %dma_wait3A_1077, %dma_wait3A_1078] : memref<4x256x64xf32, #tpu.memory_space<vmem>> -> memref<1x256x64xf32, #tpu.memory_space<vmem>>
      %dma_wait3A_1080 = tpu.memref_squeeze %dma_wait3A_1079 : memref<1x256x64xf32, #tpu.memory_space<vmem>> -> memref<256x64xf32, #tpu.memory_space<vmem>>
      %dma_wait3A_1081 = arith.constant 0 : i32
      %dma_wait3A_1082 = tpu.memref_slice %arg8[%dma_wait3A_1075, %dma_wait3A_1081] : memref<4x256xi32, #tpu.memory_space<vmem>> -> memref<1x256xi32, #tpu.memory_space<vmem>>
      %dma_wait3A_1083 = tpu.memref_squeeze %dma_wait3A_1082 : memref<1x256xi32, #tpu.memory_space<vmem>> -> memref<256xi32, #tpu.memory_space<vmem>>
      %dma_wait3A_1084 = arith.constant 0 : i32
      %dma_wait3A_1085 = arith.constant 0 : i32
      %dma_wait3A_1086 = tpu.memref_slice %arg10[%dma_wait3A_1084, %dma_wait3A_1085] : memref<3004x64xf32, #tpu.memory_space<vmem_shared>> -> memref<3004x64xf32, #tpu.memory_space<vmem_shared>>
      tpu.wait_indirect_dma semaphore(%arg12 : memref<!tpu.dma_semaphore, #tpu.memory_space<semaphore_mem>>) src(%dma_wait3A_1086 : memref<3004x64xf32, #tpu.memory_space<vmem_shared>>) dst(%dma_wait3A_1080 : memref<256x64xf32, #tpu.memory_space<vmem>>)
      %mul3A_1087 = arith.constant 2 : i32
      %mul3A_1088 = arith.muli %mul3A_1087, %add3A_1074 : i32
      %dma_start3A_1089 = arith.constant 0 : i32
      %dma_start3A_1090 = arith.constant 0 : i32
      %dma_start3A_1091 = arith.constant 0 : i32
      %dma_start3A_1092 = tpu.memref_slice %arg9[%dma_start3A_1089, %dma_start3A_1090, %dma_start3A_1091] : memref<4x256x64xf32, #tpu.memory_space<vmem>> -> memref<1x256x64xf32, #tpu.memory_space<vmem>>
      %dma_start3A_1093 = tpu.memref_squeeze %dma_start3A_1092 : memref<1x256x64xf32, #tpu.memory_space<vmem>> -> memref<256x64xf32, #tpu.memory_space<vmem>>
      %dma_start3A_1094 = arith.constant 0 : i32
      %dma_start3A_1095 = tpu.memref_slice %arg5[%mul3A_1088, %dma_start3A_1094] : memref<1638400x64xf32, #tpu.memory_space<hbm>> -> memref<256x64xf32, #tpu.memory_space<hbm>>
      %dma_start3A_1096 = arith.constant 0 : i32
      %dma_start3A_1097 = tpu.memref_slice %arg5[%mul3A_1088, %dma_start3A_1096] : memref<1638400x64xf32, #tpu.memory_space<hbm>> -> memref<256x64xf32, #tpu.memory_space<hbm>>
      %dma_start3A_1098 = arith.constant 0 : i32
      %dma_start3A_1099 = arith.constant 0 : i32
      %dma_start3A_1100 = tpu.memref_slice %arg9[%dma_start3A_1089, %dma_start3A_1098, %dma_start3A_1099] : memref<4x256x64xf32, #tpu.memory_space<vmem>> -> memref<1x256x64xf32, #tpu.memory_space<vmem>>
      %dma_start3A_1101 = tpu.memref_squeeze %dma_start3A_1100 : memref<1x256x64xf32, #tpu.memory_space<vmem>> -> memref<256x64xf32, #tpu.memory_space<vmem>>
      tpu.enqueue_dma source(%dma_start3A_1101 : memref<256x64xf32, #tpu.memory_space<vmem>>) target(%dma_start3A_1097 : memref<256x64xf32, #tpu.memory_space<hbm>>) target_semaphore(%arg16 : memref<!tpu.dma_semaphore, #tpu.memory_space<semaphore_mem>>)
      %mul3A_1102 = arith.constant 4 : i32
      %mul3A_1103 = arith.muli %scan3A_81, %mul3A_1102 : i32
      %add3A_1104 = arith.constant 1 : i32
      %add3A_1105 = arith.addi %mul3A_1103, %add3A_1104 : i32
      %mul3A_1106 = arith.constant 128 : i32
      %mul3A_1107 = arith.muli %add3A_1105, %mul3A_1106 : i32
      %add3A_1108 = arith.addi %mul3A_2, %mul3A_1107 : i32
      %dma_wait3A_1109 = arith.constant 1 : i32
      %dma_wait3A_1110 = arith.constant 1 : i32
      %dma_wait3A_1111 = arith.constant 0 : i32
      %dma_wait3A_1112 = arith.constant 0 : i32
      %dma_wait3A_1113 = tpu.memref_slice %arg9[%dma_wait3A_1110, %dma_wait3A_1111, %dma_wait3A_1112] : memref<4x256x64xf32, #tpu.memory_space<vmem>> -> memref<1x256x64xf32, #tpu.memory_space<vmem>>
      %dma_wait3A_1114 = tpu.memref_squeeze %dma_wait3A_1113 : memref<1x256x64xf32, #tpu.memory_space<vmem>> -> memref<256x64xf32, #tpu.memory_space<vmem>>
      %dma_wait3A_1115 = arith.constant 0 : i32
      %dma_wait3A_1116 = tpu.memref_slice %arg8[%dma_wait3A_1109, %dma_wait3A_1115] : memref<4x256xi32, #tpu.memory_space<vmem>> -> memref<1x256xi32, #tpu.memory_space<vmem>>
      %dma_wait3A_1117 = tpu.memref_squeeze %dma_wait3A_1116 : memref<1x256xi32, #tpu.memory_space<vmem>> -> memref<256xi32, #tpu.memory_space<vmem>>
      %dma_wait3A_1118 = arith.constant 0 : i32
      %dma_wait3A_1119 = arith.constant 0 : i32
      %dma_wait3A_1120 = tpu.memref_slice %arg10[%dma_wait3A_1118, %dma_wait3A_1119] : memref<3004x64xf32, #tpu.memory_space<vmem_shared>> -> memref<3004x64xf32, #tpu.memory_space<vmem_shared>>
      tpu.wait_indirect_dma semaphore(%arg13 : memref<!tpu.dma_semaphore, #tpu.memory_space<semaphore_mem>>) src(%dma_wait3A_1120 : memref<3004x64xf32, #tpu.memory_space<vmem_shared>>) dst(%dma_wait3A_1114 : memref<256x64xf32, #tpu.memory_space<vmem>>)
      %mul3A_1121 = arith.constant 2 : i32
      %mul3A_1122 = arith.muli %mul3A_1121, %add3A_1108 : i32
      %dma_start3A_1123 = arith.constant 1 : i32
      %dma_start3A_1124 = arith.constant 0 : i32
      %dma_start3A_1125 = arith.constant 0 : i32
      %dma_start3A_1126 = tpu.memref_slice %arg9[%dma_start3A_1123, %dma_start3A_1124, %dma_start3A_1125] : memref<4x256x64xf32, #tpu.memory_space<vmem>> -> memref<1x256x64xf32, #tpu.memory_space<vmem>>
      %dma_start3A_1127 = tpu.memref_squeeze %dma_start3A_1126 : memref<1x256x64xf32, #tpu.memory_space<vmem>> -> memref<256x64xf32, #tpu.memory_space<vmem>>
      %dma_start3A_1128 = arith.constant 0 : i32
      %dma_start3A_1129 = tpu.memref_slice %arg5[%mul3A_1122, %dma_start3A_1128] : memref<1638400x64xf32, #tpu.memory_space<hbm>> -> memref<256x64xf32, #tpu.memory_space<hbm>>
      %dma_start3A_1130 = arith.constant 0 : i32
      %dma_start3A_1131 = tpu.memref_slice %arg5[%mul3A_1122, %dma_start3A_1130] : memref<1638400x64xf32, #tpu.memory_space<hbm>> -> memref<256x64xf32, #tpu.memory_space<hbm>>
      %dma_start3A_1132 = arith.constant 0 : i32
      %dma_start3A_1133 = arith.constant 0 : i32
      %dma_start3A_1134 = tpu.memref_slice %arg9[%dma_start3A_1123, %dma_start3A_1132, %dma_start3A_1133] : memref<4x256x64xf32, #tpu.memory_space<vmem>> -> memref<1x256x64xf32, #tpu.memory_space<vmem>>
      %dma_start3A_1135 = tpu.memref_squeeze %dma_start3A_1134 : memref<1x256x64xf32, #tpu.memory_space<vmem>> -> memref<256x64xf32, #tpu.memory_space<vmem>>
      tpu.enqueue_dma source(%dma_start3A_1135 : memref<256x64xf32, #tpu.memory_space<vmem>>) target(%dma_start3A_1131 : memref<256x64xf32, #tpu.memory_space<hbm>>) target_semaphore(%arg17 : memref<!tpu.dma_semaphore, #tpu.memory_space<semaphore_mem>>)
      %mul3A_1136 = arith.constant 4 : i32
      %mul3A_1137 = arith.muli %scan3A_81, %mul3A_1136 : i32
      %add3A_1138 = arith.constant 2 : i32
      %add3A_1139 = arith.addi %mul3A_1137, %add3A_1138 : i32
      %mul3A_1140 = arith.constant 128 : i32
      %mul3A_1141 = arith.muli %add3A_1139, %mul3A_1140 : i32
      %add3A_1142 = arith.addi %mul3A_2, %mul3A_1141 : i32
      %dma_wait3A_1143 = arith.constant 2 : i32
      %dma_wait3A_1144 = arith.constant 2 : i32
      %dma_wait3A_1145 = arith.constant 0 : i32
      %dma_wait3A_1146 = arith.constant 0 : i32
      %dma_wait3A_1147 = tpu.memref_slice %arg9[%dma_wait3A_1144, %dma_wait3A_1145, %dma_wait3A_1146] : memref<4x256x64xf32, #tpu.memory_space<vmem>> -> memref<1x256x64xf32, #tpu.memory_space<vmem>>
      %dma_wait3A_1148 = tpu.memref_squeeze %dma_wait3A_1147 : memref<1x256x64xf32, #tpu.memory_space<vmem>> -> memref<256x64xf32, #tpu.memory_space<vmem>>
      %dma_wait3A_1149 = arith.constant 0 : i32
      %dma_wait3A_1150 = tpu.memref_slice %arg8[%dma_wait3A_1143, %dma_wait3A_1149] : memref<4x256xi32, #tpu.memory_space<vmem>> -> memref<1x256xi32, #tpu.memory_space<vmem>>
      %dma_wait3A_1151 = tpu.memref_squeeze %dma_wait3A_1150 : memref<1x256xi32, #tpu.memory_space<vmem>> -> memref<256xi32, #tpu.memory_space<vmem>>
      %dma_wait3A_1152 = arith.constant 0 : i32
      %dma_wait3A_1153 = arith.constant 0 : i32
      %dma_wait3A_1154 = tpu.memref_slice %arg10[%dma_wait3A_1152, %dma_wait3A_1153] : memref<3004x64xf32, #tpu.memory_space<vmem_shared>> -> memref<3004x64xf32, #tpu.memory_space<vmem_shared>>
      tpu.wait_indirect_dma semaphore(%arg14 : memref<!tpu.dma_semaphore, #tpu.memory_space<semaphore_mem>>) src(%dma_wait3A_1154 : memref<3004x64xf32, #tpu.memory_space<vmem_shared>>) dst(%dma_wait3A_1148 : memref<256x64xf32, #tpu.memory_space<vmem>>)
      %mul3A_1155 = arith.constant 2 : i32
      %mul3A_1156 = arith.muli %mul3A_1155, %add3A_1142 : i32
      %dma_start3A_1157 = arith.constant 2 : i32
      %dma_start3A_1158 = arith.constant 0 : i32
      %dma_start3A_1159 = arith.constant 0 : i32
      %dma_start3A_1160 = tpu.memref_slice %arg9[%dma_start3A_1157, %dma_start3A_1158, %dma_start3A_1159] : memref<4x256x64xf32, #tpu.memory_space<vmem>> -> memref<1x256x64xf32, #tpu.memory_space<vmem>>
      %dma_start3A_1161 = tpu.memref_squeeze %dma_start3A_1160 : memref<1x256x64xf32, #tpu.memory_space<vmem>> -> memref<256x64xf32, #tpu.memory_space<vmem>>
      %dma_start3A_1162 = arith.constant 0 : i32
      %dma_start3A_1163 = tpu.memref_slice %arg5[%mul3A_1156, %dma_start3A_1162] : memref<1638400x64xf32, #tpu.memory_space<hbm>> -> memref<256x64xf32, #tpu.memory_space<hbm>>
      %dma_start3A_1164 = arith.constant 0 : i32
      %dma_start3A_1165 = tpu.memref_slice %arg5[%mul3A_1156, %dma_start3A_1164] : memref<1638400x64xf32, #tpu.memory_space<hbm>> -> memref<256x64xf32, #tpu.memory_space<hbm>>
      %dma_start3A_1166 = arith.constant 0 : i32
      %dma_start3A_1167 = arith.constant 0 : i32
      %dma_start3A_1168 = tpu.memref_slice %arg9[%dma_start3A_1157, %dma_start3A_1166, %dma_start3A_1167] : memref<4x256x64xf32, #tpu.memory_space<vmem>> -> memref<1x256x64xf32, #tpu.memory_space<vmem>>
      %dma_start3A_1169 = tpu.memref_squeeze %dma_start3A_1168 : memref<1x256x64xf32, #tpu.memory_space<vmem>> -> memref<256x64xf32, #tpu.memory_space<vmem>>
      tpu.enqueue_dma source(%dma_start3A_1169 : memref<256x64xf32, #tpu.memory_space<vmem>>) target(%dma_start3A_1165 : memref<256x64xf32, #tpu.memory_space<hbm>>) target_semaphore(%arg18 : memref<!tpu.dma_semaphore, #tpu.memory_space<semaphore_mem>>)
      %mul3A_1170 = arith.constant 4 : i32
      %mul3A_1171 = arith.muli %scan3A_81, %mul3A_1170 : i32
      %add3A_1172 = arith.constant 3 : i32
      %add3A_1173 = arith.addi %mul3A_1171, %add3A_1172 : i32
      %mul3A_1174 = arith.constant 128 : i32
      %mul3A_1175 = arith.muli %add3A_1173, %mul3A_1174 : i32
      %add3A_1176 = arith.addi %mul3A_2, %mul3A_1175 : i32
      %dma_wait3A_1177 = arith.constant 3 : i32
      %dma_wait3A_1178 = arith.constant 3 : i32
      %dma_wait3A_1179 = arith.constant 0 : i32
      %dma_wait3A_1180 = arith.constant 0 : i32
      %dma_wait3A_1181 = tpu.memref_slice %arg9[%dma_wait3A_1178, %dma_wait3A_1179, %dma_wait3A_1180] : memref<4x256x64xf32, #tpu.memory_space<vmem>> -> memref<1x256x64xf32, #tpu.memory_space<vmem>>
      %dma_wait3A_1182 = tpu.memref_squeeze %dma_wait3A_1181 : memref<1x256x64xf32, #tpu.memory_space<vmem>> -> memref<256x64xf32, #tpu.memory_space<vmem>>
      %dma_wait3A_1183 = arith.constant 0 : i32
      %dma_wait3A_1184 = tpu.memref_slice %arg8[%dma_wait3A_1177, %dma_wait3A_1183] : memref<4x256xi32, #tpu.memory_space<vmem>> -> memref<1x256xi32, #tpu.memory_space<vmem>>
      %dma_wait3A_1185 = tpu.memref_squeeze %dma_wait3A_1184 : memref<1x256xi32, #tpu.memory_space<vmem>> -> memref<256xi32, #tpu.memory_space<vmem>>
      %dma_wait3A_1186 = arith.constant 0 : i32
      %dma_wait3A_1187 = arith.constant 0 : i32
      %dma_wait3A_1188 = tpu.memref_slice %arg10[%dma_wait3A_1186, %dma_wait3A_1187] : memref<3004x64xf32, #tpu.memory_space<vmem_shared>> -> memref<3004x64xf32, #tpu.memory_space<vmem_shared>>
      tpu.wait_indirect_dma semaphore(%arg15 : memref<!tpu.dma_semaphore, #tpu.memory_space<semaphore_mem>>) src(%dma_wait3A_1188 : memref<3004x64xf32, #tpu.memory_space<vmem_shared>>) dst(%dma_wait3A_1182 : memref<256x64xf32, #tpu.memory_space<vmem>>)
      %mul3A_1189 = arith.constant 2 : i32
      %mul3A_1190 = arith.muli %mul3A_1189, %add3A_1176 : i32
      %dma_start3A_1191 = arith.constant 3 : i32
      %dma_start3A_1192 = arith.constant 0 : i32
      %dma_start3A_1193 = arith.constant 0 : i32
      %dma_start3A_1194 = tpu.memref_slice %arg9[%dma_start3A_1191, %dma_start3A_1192, %dma_start3A_1193] : memref<4x256x64xf32, #tpu.memory_space<vmem>> -> memref<1x256x64xf32, #tpu.memory_space<vmem>>
      %dma_start3A_1195 = tpu.memref_squeeze %dma_start3A_1194 : memref<1x256x64xf32, #tpu.memory_space<vmem>> -> memref<256x64xf32, #tpu.memory_space<vmem>>
      %dma_start3A_1196 = arith.constant 0 : i32
      %dma_start3A_1197 = tpu.memref_slice %arg5[%mul3A_1190, %dma_start3A_1196] : memref<1638400x64xf32, #tpu.memory_space<hbm>> -> memref<256x64xf32, #tpu.memory_space<hbm>>
      %dma_start3A_1198 = arith.constant 0 : i32
      %dma_start3A_1199 = tpu.memref_slice %arg5[%mul3A_1190, %dma_start3A_1198] : memref<1638400x64xf32, #tpu.memory_space<hbm>> -> memref<256x64xf32, #tpu.memory_space<hbm>>
      %dma_start3A_1200 = arith.constant 0 : i32
      %dma_start3A_1201 = arith.constant 0 : i32
      %dma_start3A_1202 = tpu.memref_slice %arg9[%dma_start3A_1191, %dma_start3A_1200, %dma_start3A_1201] : memref<4x256x64xf32, #tpu.memory_space<vmem>> -> memref<1x256x64xf32, #tpu.memory_space<vmem>>
      %dma_start3A_1203 = tpu.memref_squeeze %dma_start3A_1202 : memref<1x256x64xf32, #tpu.memory_space<vmem>> -> memref<256x64xf32, #tpu.memory_space<vmem>>
      tpu.enqueue_dma source(%dma_start3A_1203 : memref<256x64xf32, #tpu.memory_space<vmem>>) target(%dma_start3A_1199 : memref<256x64xf32, #tpu.memory_space<hbm>>) target_semaphore(%arg19 : memref<!tpu.dma_semaphore, #tpu.memory_space<semaphore_mem>>)
      %scan3A_1204 = arith.constant 0 : i32
      scf.yield %scan3A_1204 : i32
    }
    %scan3A_20 = arith.constant 50 : i32
    %dma_wait3A_21 = arith.constant 0 : i32
    %dma_wait3A_22 = arith.constant 0 : i32
    %dma_wait3A_23 = arith.constant 0 : i32
    %dma_wait3A_24 = tpu.memref_slice %arg9[%dma_wait3A_21, %dma_wait3A_22, %dma_wait3A_23] : memref<4x256x64xf32, #tpu.memory_space<vmem>> -> memref<1x256x64xf32, #tpu.memory_space<vmem>>
    %dma_wait3A_25 = tpu.memref_squeeze %dma_wait3A_24 : memref<1x256x64xf32, #tpu.memory_space<vmem>> -> memref<256x64xf32, #tpu.memory_space<vmem>>
    %dma_wait3A_26 = arith.constant 0 : i32
    %dma_wait3A_27 = arith.constant 0 : i32
    %dma_wait3A_28 = tpu.memref_slice %arg5[%dma_wait3A_26, %dma_wait3A_27] : memref<1638400x64xf32, #tpu.memory_space<hbm>> -> memref<256x64xf32, #tpu.memory_space<hbm>>
    %dma_wait3A_29 = arith.constant 0 : i32
    %dma_wait3A_30 = arith.constant 0 : i32
    %dma_wait3A_31 = tpu.memref_slice %arg9[%dma_wait3A_21, %dma_wait3A_29, %dma_wait3A_30] : memref<4x256x64xf32, #tpu.memory_space<vmem>> -> memref<1x256x64xf32, #tpu.memory_space<vmem>>
    %dma_wait3A_32 = tpu.memref_squeeze %dma_wait3A_31 : memref<1x256x64xf32, #tpu.memory_space<vmem>> -> memref<256x64xf32, #tpu.memory_space<vmem>>
    %dma_wait3A_33 = arith.constant 0 : i32
    %dma_wait3A_34 = arith.constant 0 : i32
    %dma_wait3A_35 = tpu.memref_slice %arg5[%dma_wait3A_33, %dma_wait3A_34] : memref<1638400x64xf32, #tpu.memory_space<hbm>> -> memref<256x64xf32, #tpu.memory_space<hbm>>
    tpu.wait_dma2 semaphore(%arg16 : memref<!tpu.dma_semaphore, #tpu.memory_space<semaphore_mem>>) src(%dma_wait3A_35 : memref<256x64xf32, #tpu.memory_space<hbm>>) dst(%dma_wait3A_32 : memref<256x64xf32, #tpu.memory_space<vmem>>)
    %dma_wait3A_36 = arith.constant 1 : i32
    %dma_wait3A_37 = arith.constant 0 : i32
    %dma_wait3A_38 = arith.constant 0 : i32
    %dma_wait3A_39 = tpu.memref_slice %arg9[%dma_wait3A_36, %dma_wait3A_37, %dma_wait3A_38] : memref<4x256x64xf32, #tpu.memory_space<vmem>> -> memref<1x256x64xf32, #tpu.memory_space<vmem>>
    %dma_wait3A_40 = tpu.memref_squeeze %dma_wait3A_39 : memref<1x256x64xf32, #tpu.memory_space<vmem>> -> memref<256x64xf32, #tpu.memory_space<vmem>>
    %dma_wait3A_41 = arith.constant 0 : i32
    %dma_wait3A_42 = arith.constant 0 : i32
    %dma_wait3A_43 = tpu.memref_slice %arg5[%dma_wait3A_41, %dma_wait3A_42] : memref<1638400x64xf32, #tpu.memory_space<hbm>> -> memref<256x64xf32, #tpu.memory_space<hbm>>
    %dma_wait3A_44 = arith.constant 0 : i32
    %dma_wait3A_45 = arith.constant 0 : i32
    %dma_wait3A_46 = tpu.memref_slice %arg9[%dma_wait3A_36, %dma_wait3A_44, %dma_wait3A_45] : memref<4x256x64xf32, #tpu.memory_space<vmem>> -> memref<1x256x64xf32, #tpu.memory_space<vmem>>
    %dma_wait3A_47 = tpu.memref_squeeze %dma_wait3A_46 : memref<1x256x64xf32, #tpu.memory_space<vmem>> -> memref<256x64xf32, #tpu.memory_space<vmem>>
    %dma_wait3A_48 = arith.constant 0 : i32
    %dma_wait3A_49 = arith.constant 0 : i32
    %dma_wait3A_50 = tpu.memref_slice %arg5[%dma_wait3A_48, %dma_wait3A_49] : memref<1638400x64xf32, #tpu.memory_space<hbm>> -> memref<256x64xf32, #tpu.memory_space<hbm>>
    tpu.wait_dma2 semaphore(%arg17 : memref<!tpu.dma_semaphore, #tpu.memory_space<semaphore_mem>>) src(%dma_wait3A_50 : memref<256x64xf32, #tpu.memory_space<hbm>>) dst(%dma_wait3A_47 : memref<256x64xf32, #tpu.memory_space<vmem>>)
    %dma_wait3A_51 = arith.constant 2 : i32
    %dma_wait3A_52 = arith.constant 0 : i32
    %dma_wait3A_53 = arith.constant 0 : i32
    %dma_wait3A_54 = tpu.memref_slice %arg9[%dma_wait3A_51, %dma_wait3A_52, %dma_wait3A_53] : memref<4x256x64xf32, #tpu.memory_space<vmem>> -> memref<1x256x64xf32, #tpu.memory_space<vmem>>
    %dma_wait3A_55 = tpu.memref_squeeze %dma_wait3A_54 : memref<1x256x64xf32, #tpu.memory_space<vmem>> -> memref<256x64xf32, #tpu.memory_space<vmem>>
    %dma_wait3A_56 = arith.constant 0 : i32
    %dma_wait3A_57 = arith.constant 0 : i32
    %dma_wait3A_58 = tpu.memref_slice %arg5[%dma_wait3A_56, %dma_wait3A_57] : memref<1638400x64xf32, #tpu.memory_space<hbm>> -> memref<256x64xf32, #tpu.memory_space<hbm>>
    %dma_wait3A_59 = arith.constant 0 : i32
    %dma_wait3A_60 = arith.constant 0 : i32
    %dma_wait3A_61 = tpu.memref_slice %arg9[%dma_wait3A_51, %dma_wait3A_59, %dma_wait3A_60] : memref<4x256x64xf32, #tpu.memory_space<vmem>> -> memref<1x256x64xf32, #tpu.memory_space<vmem>>
    %dma_wait3A_62 = tpu.memref_squeeze %dma_wait3A_61 : memref<1x256x64xf32, #tpu.memory_space<vmem>> -> memref<256x64xf32, #tpu.memory_space<vmem>>
    %dma_wait3A_63 = arith.constant 0 : i32
    %dma_wait3A_64 = arith.constant 0 : i32
    %dma_wait3A_65 = tpu.memref_slice %arg5[%dma_wait3A_63, %dma_wait3A_64] : memref<1638400x64xf32, #tpu.memory_space<hbm>> -> memref<256x64xf32, #tpu.memory_space<hbm>>
    tpu.wait_dma2 semaphore(%arg18 : memref<!tpu.dma_semaphore, #tpu.memory_space<semaphore_mem>>) src(%dma_wait3A_65 : memref<256x64xf32, #tpu.memory_space<hbm>>) dst(%dma_wait3A_62 : memref<256x64xf32, #tpu.memory_space<vmem>>)
    %dma_wait3A_66 = arith.constant 3 : i32
    %dma_wait3A_67 = arith.constant 0 : i32
    %dma_wait3A_68 = arith.constant 0 : i32
    %dma_wait3A_69 = tpu.memref_slice %arg9[%dma_wait3A_66, %dma_wait3A_67, %dma_wait3A_68] : memref<4x256x64xf32, #tpu.memory_space<vmem>> -> memref<1x256x64xf32, #tpu.memory_space<vmem>>
    %dma_wait3A_70 = tpu.memref_squeeze %dma_wait3A_69 : memref<1x256x64xf32, #tpu.memory_space<vmem>> -> memref<256x64xf32, #tpu.memory_space<vmem>>
    %dma_wait3A_71 = arith.constant 0 : i32
    %dma_wait3A_72 = arith.constant 0 : i32
    %dma_wait3A_73 = tpu.memref_slice %arg5[%dma_wait3A_71, %dma_wait3A_72] : memref<1638400x64xf32, #tpu.memory_space<hbm>> -> memref<256x64xf32, #tpu.memory_space<hbm>>
    %dma_wait3A_74 = arith.constant 0 : i32
    %dma_wait3A_75 = arith.constant 0 : i32
    %dma_wait3A_76 = tpu.memref_slice %arg9[%dma_wait3A_66, %dma_wait3A_74, %dma_wait3A_75] : memref<4x256x64xf32, #tpu.memory_space<vmem>> -> memref<1x256x64xf32, #tpu.memory_space<vmem>>
    %dma_wait3A_77 = tpu.memref_squeeze %dma_wait3A_76 : memref<1x256x64xf32, #tpu.memory_space<vmem>> -> memref<256x64xf32, #tpu.memory_space<vmem>>
    %dma_wait3A_78 = arith.constant 0 : i32
    %dma_wait3A_79 = arith.constant 0 : i32
    %dma_wait3A_80 = tpu.memref_slice %arg5[%dma_wait3A_78, %dma_wait3A_79] : memref<1638400x64xf32, #tpu.memory_space<hbm>> -> memref<256x64xf32, #tpu.memory_space<hbm>>
    tpu.wait_dma2 semaphore(%arg19 : memref<!tpu.dma_semaphore, #tpu.memory_space<semaphore_mem>>) src(%dma_wait3A_80 : memref<256x64xf32, #tpu.memory_space<hbm>>) dst(%dma_wait3A_77 : memref<256x64xf32, #tpu.memory_space<vmem>>)
    return
  }
}

</mosaic_0001>

<sc_bundles>
// kernel: kernel.3.cloned.1.call-start
scs
__scs_entry_jumppad:
0x0: {  	(pc) =	sbr.rel $0x88, $3  }
0x1: {  	(tag) =	ssettag $0x0;
	lr =	simm.s32 $0x1  }
0x2: {  	[smem:$0x3F9D] =	sst lr;
	_ =	strace $0xD0000000  }
0x3: {  	_ = 	snop  }
0x4: {  	_ = 	snop  }
0x5: {  	_ = 	snop  }
0x6: {  	_ = 	snop  }
0x7: {  	_ = 	snop  }
__scs_overlays_trampoline_lowered:
0x8: {  	[smem:$0x3FAC] =	sst s0  }
0x9: {  	[smem:$0x3FAD] =	sst s1  }
0xa: {  	[smem:$0x3FAE] =	sst s2  }
0xb: {  	[smem:$0x3FAF] =	sst s3  }
0xc: {  	[smem:$0x3FB0] =	sst s4  }
0xd: {  	[smem:$0x3FB1] =	sst s5  }
0xe: {  	[smem:$0x3FB2] =	sst s6  }
0xf: {  	[smem:$0x3FB3] =	sst s7  }
0x10: {  	[smem:$0x3FB4] =	sst s8  }
0x11: {  	[smem:$0x3FB5] =	sst s9;
	s0 =	simm.s32 @!p0 $0x0  }
0x12: {  	s1 =	sld [smem:$0x3F9B];
	s0 =	simm.s32 @p0 $0x1  }
0x13: {  	[smem:$0x3FB6] =	sst s0;
	s0 =	simm.s32 @!p1 $0x0  }
0x14: {  	s2 =	sld [smem:$0x3F9A];
	s0 =	simm.s32 @p1 $0x1  }
0x15: {  	[smem:$0x3FB7] =	sst s0;
	s0 =	simm.s32 @!p2 $0x0  }
0x16: {  	s3 =	sld [smem:$0x3FDB];
	s0 =	simm.s32 @p2 $0x1  }
0x17: {  	s4 =	simm.s32 $0x1BF5;
	[smem:$0x3FB9] =	sst s0  }
0x18: {  	s0 =	sld [smem:$0x3F9C];
	_ =	swait.ge [sflag:s4], $0x0  }
0x19: {  	s7 =	sld [smem:$0x3F9D]  }
0x1a: {  	s8 =	sadd.s32 $0xFFFFE003, lr  }
0x1b: {  	s9 =	sadd.s32 $0xFFFFFEF7, lr;
	s5 =	simm.s32 $0xFFFFFFFF;
	p2 =	slt.u32 s8, $0xFFFFF086  }
0x1c: {  	p1 =	slt.u32 s9, $0xF7A;
	s5 =	simm.s32 @!p2 $0x0  }
0x1d: {  	s5 =	simm.s32 @p1 $0x1;
	p0 =	seq.s32 s7, s2  }
0x1e: {  	s7 =	smul.u32 @!p0 $0xF7A, s2;
	p2 =	seq.s32 @!p0 s5, $0x0  }
0x1f: {  	s9 =	smul.u32 $0xF7A, s1;
	s8 =	simm.s32 @!p0 $0x1BF5;
	p2 =	por !p2, p0  }
0x20: {  	[sflag:s8] =	ssyncset.s32 @!p0 $0xFFFFF086;
	s6 =	sadd.s32 @!p0 s3, s7;
	s7 =	simm.s32 @!p0 $0x108  }
0x21: {  	s3 =	sadd.s32 s3, s9;
	s6 =	sadd.s32 @!p0 $0x88, s6;
	s7 =	simm.s32 @p2 $0x1082  }
0x22: {  	[simem:s7], [sflag:s8] =	dma.local @!p0 [hbm:s6], $0xF7A  }
0x23: {  	s9 =	sor.u32 $0xD0000000, s2;
	s6 =	simm.s32 $0x108;
	_ =	swait.ge @!p0 [sflag:s8], $0x0  }
0x24: {  	s3 =	sadd.s32 $0x88, s3;
	s6 =	simm.s32 @!p1 $0x1082;
	[sflag:s4] =	ssyncset.s32 $0xFFFFF086  }
0x25: {  	[simem:s6], [sflag:s4] =	dma.local [hbm:s3], $0xF7A  }
0x26: {  	[smem:$0x3F9D] =	sst s1;
	(tag) =	ssettag s2;
	_ =	strace s9  }
0x27: {  	s1 =	sld [smem:$0x3FAD]  }
0x28: {  	s2 =	sld [smem:$0x3FAE]  }
0x29: {  	s4 =	sld [smem:$0x3FB0]  }
0x2a: {  	p0 =	seq.s32 s5, $0x0;
	s5 =	sld [smem:$0x3FB1]  }
0x2b: {  	s6 =	sld [smem:$0x3FB2]  }
0x2c: {  	s7 =	sld [smem:$0x3FB3]  }
0x2d: {  	s3 =	simm.s32 $0x108;
	s8 =	sld [smem:$0x3FB4]  }
0x2e: {  	s3 =	simm.s32 @!p0 $0x1082;
	s9 =	sld [smem:$0x3FB5]  }
0x2f: {  	lr =	sadd.s32 s0, s3;
	s0 =	sld [smem:$0x3FAC]  }
0x30: {  	s3 =	sld [smem:$0x3FAF]  }
0x31: {  	[smem:$0x3FB8] =	sst s10  }
0x32: {  	s10 =	sld [smem:$0x3FB6];
	_ =	sdelay $0x3  }
0x33: {  	p0 =	seq.s32 s10, $0x1;
	s10 =	sld [smem:$0x3FB8];
	_ =	sdelay $0x3  }
0x34: {  	[smem:$0x3FB8] =	sst s10  }
0x35: {  	s10 =	sld [smem:$0x3FB7];
	_ =	sdelay $0x3  }
0x36: {  	p1 =	seq.s32 s10, $0x1;
	s10 =	sld [smem:$0x3FB8];
	_ =	sdelay $0x3  }
0x37: {  	[smem:$0x3FB8] =	sst s10  }
0x38: {  	s10 =	sld [smem:$0x3FB9]  }
0x39: {  	_ = 	snop;
	(pc) =	sbr.ind lr, $3  }
0x3a: {  	_ = 	snop  }
0x3b: {  	_ = 	snop  }
0x3c: {  	p2 =	seq.s32 s10, $0x1;
	s10 =	sld [smem:$0x3FB8]  }
0x3d: {  	_ =	shalt  }
0x3e: {  	_ =	shalt  }
0x3f: {  	_ =	shalt  }
0x40: {  	_ =	shalt  }
0x41: {  	_ =	shalt  }
0x42: {  	_ =	shalt  }
0x43: {  	_ =	shalt  }
0x44: {  	_ =	shalt  }
0x45: {  	_ =	shalt  }
0x46: {  	_ =	shalt  }
0x47: {  	_ =	shalt  }
0x48: {  	_ =	shalt  }
0x49: {  	_ =	shalt  }
0x4a: {  	_ =	shalt  }
0x4b: {  	_ =	shalt  }
0x4c: {  	_ =	shalt  }
0x4d: {  	_ =	shalt  }
0x4e: {  	_ =	shalt  }
0x4f: {  	_ =	shalt  }
0x50: {  	_ =	shalt  }
0x51: {  	_ =	shalt  }
0x52: {  	_ =	shalt  }
0x53: {  	_ =	shalt  }
0x54: {  	_ =	shalt  }
0x55: {  	_ =	shalt  }
0x56: {  	_ =	shalt  }
0x57: {  	_ =	shalt  }
0x58: {  	_ =	shalt  }
0x59: {  	_ =	shalt  }
0x5a: {  	_ =	shalt  }
0x5b: {  	_ =	shalt  }
0x5c: {  	_ =	shalt  }
0x5d: {  	_ =	shalt  }
0x5e: {  	_ =	shalt  }
0x5f: {  	_ =	shalt  }
0x60: {  	_ =	shalt  }
0x61: {  	_ =	shalt  }
0x62: {  	_ =	shalt  }
0x63: {  	_ =	shalt  }
0x64: {  	_ =	shalt  }
0x65: {  	_ =	shalt  }
0x66: {  	_ =	shalt  }
0x67: {  	_ =	shalt  }
0x68: {  	_ =	shalt  }
0x69: {  	_ =	shalt  }
0x6a: {  	_ =	shalt  }
0x6b: {  	_ =	shalt  }
0x6c: {  	_ =	shalt  }
0x6d: {  	_ =	shalt  }
0x6e: {  	_ =	shalt  }
0x6f: {  	_ =	shalt  }
0x70: {  	_ =	shalt  }
0x71: {  	_ =	shalt  }
0x72: {  	_ =	shalt  }
0x73: {  	_ =	shalt  }
0x74: {  	_ =	shalt  }
0x75: {  	_ =	shalt  }
0x76: {  	_ =	shalt  }
0x77: {  	_ =	shalt  }
0x78: {  	_ =	shalt  }
0x79: {  	_ =	shalt  }
0x7a: {  	_ =	shalt  }
0x7b: {  	_ =	shalt  }
0x7c: {  	_ =	shalt  }
0x7d: {  	_ =	shalt  }
0x7e: {  	_ =	shalt  }
0x7f: {  	_ =	shalt  }
0x80: {  	_ =	shalt  }
0x81: {  	_ =	shalt  }
0x82: {  	_ =	shalt  }
0x83: {  	_ =	shalt  }
0x84: {  	_ =	shalt  }
0x85: {  	_ =	shalt  }
0x86: {  	_ =	shalt  }
0x87: {  	_ =	shalt  }
.Lfunc_end0:
.L_simem_size_0:
called_computation_lowered:
.L_overlay_start_0:
0x88: {  	s2 =	sld [smem:$0x3FD9]  }
0x89: {  	s3 =	sld [smem:$0x3FFE];
	_ =	sdelay $0x1  }
0x8a: {  	s1 =	srdreg.scid  }
0x8b: {  	s0 =	sand.u32 $0x1, s1  }
0x8c: {  	s17 =	sshll.u32 s0, $0xA;
	s2 =	sadd.s32 s3, s2  }
0x8d: {  	s2 =	sadd.s32 s2, s17  }
0x8e: {  	[smem:$0x3FC4] =	sst s2  }
0x8f: {  	_ = 	snop  }
0x90: {  	s2 =	sld [smem:$0x3FD0];
	(tm) =	ssettm $0x1  }
0x91: {  	s18 =	sld [smem:$0x3FFB];
	_ =	sdelay $0x3  }
0x92: {  	_ =	strace s18  }
0x93: {  	s3 =	sld [smem:$0x3FFC];
	_ =	sdelay $0x3  }
0x94: {  	_ =	strace s3  }
0x95: {  	s3 =	sld [smem:$0x3FFD];
	_ =	sdelay $0x3  }
0x96: {  	_ =	strace s3  }
0x97: {  	_ =	strace $0x8FFFFFFF  }
0x98: {  	s19 =	sld [smem:$0x3FDB];
	_ =	sdelay $0x1  }
0x99: {  	s4 =	simm.s32 $_scs_section_size  }
0x9a: {  	s5 =	simm.s32 $_size__tile_overlayer_lowered;
	s6 =	simm.s32 $_tile_overlayer_lowered  }
0x9b: {  	s22 =	simm.s32 $0x1BFF;
	s21 =	sshll.u32 s6, $0x1;
	s3 =	sadd.s32 s4, s19  }
0x9c: {  	s7 =	simm.s32 $0x0;
	s20 =	sshll.u32 s5, $0x1;
	s5 =	sadd.s32 s21, s3  }
0x9d: {  	[timem:s7], [sflag:s22] =	dma.local [hbm:s5], s20  }
0x9e: {  	_ =	swait.ge [sflag:s22], s20  }
0x9f: {  	s4 =	ssub.s32 $0x0, s20;
	[sflag:s22] =	ssyncset.done $0x0  }
0xa0: {  	[sflag:s22] =	ssyncadd.s32 s4;
	_ =	sdelay $0x1  }
0xa1: {  	s23 =	simm.s32 $0x1B8B  }
0xa2: {  	_ =	swait.ge [sflag:s23], $0x1  }
0xa3: {  	[sflag:s23] =	ssyncset.done $0x0  }
0xa4: {  	s25 =	simm.s32 $0x1B8E;
	s24 =	sld [smem:$0x3FFE];
	[sflag:s23] =	ssyncadd.s32 $0xFFFFFFFF  }
0xa5: {  	s26 =	simm.s32 $execute0_lowered;
	[smem:$0x3FD2] =	sst s25  }
0xa6: {  	s5 =	sshll.u32 s26, $0x1;
	_ =	strace $0x80000046;
	[dreg:$0x1] =	wrdreg $0xFFFFFFFF  }
0xa7: {  	s28 =	simm.s32 $_size_execute0_lowered;
	s3 =	sadd.s32 s3, s5;
	[dreg:$0x0] =	wrdreg $0x0  }
0xa8: {  	s5 =	sshll.u32 s28, $0x1;
	[dreg:$0x2] =	wrdreg s3  }
0xa9: {  	[dreg:$0x3] =	wrdreg s5  }
0xaa: {  	[dreg:$0x4] =	wrdreg $0xC0  }
0xab: {  	_ =	task [dreg:s7], $0x5FFFF  }
0xac: {  	[dreg:$0x1] =	wrdreg $0xFFFFFFFF  }
0xad: {  	[dreg:$0x0] =	wrdreg $0x60  }
0xae: {  	[dreg:$0x2] =	wrdreg s24  }
0xaf: {  	[dreg:$0x3] =	wrdreg s2  }
0xb0: {  	[dreg:$0x4] =	wrdreg $0x1CC000  }
0xb1: {  	[dreg:$0x5] =	wrdreg $0x9  }
0xb2: {  	_ =	task.clear_ibuf [dreg:s7], $0x6FFFF;
	_ =	strace $0x90000046  }
0xb3: {  	s29 =	simm.s32 $0x9;
	_ =	strace $0x80000048  }
0xb4: {  	_ =	swait.ge [sflag:s29], $0x1  }
0xb5: {  	[sflag:s29] =	ssyncadd.s32 $0xFFFFFFFF  }
0xb6: {  	_ =	strace $0x90000048  }
0xb7: {  	_ =	sfence  }
0xb8: {  	s30 =	sld [smem:$0x0];
	_ =	sdelay $0x2  }
0xb9: {  	s31 =	sshll.u32 s1, $0xD;
	s1 =	sshrl.u32 s1, $0x2  }
0xba: {  	s3 =	sand.u32 $0x4000, s31;
	s1 =	sadd.s32 s1, s30  }
0xbb: {  	s0 =	sor.u32 s3, s0;
	s1 =	sshll.u32 s1, $0x11  }
0xbc: {  	s0 =	sor.u32 s1, s0  }
0xbd: {  	s0 =	sadd.s32 $0x8F2B, s0  }
0xbe: {  	[sflag:s0] =	ssyncadd.remote.s32 $0x1  }
0xbf: {  	_ =	sfence.sel $0xFFFF  }
0xc0: {  	[dreg:$0x0] =	wrdreg $0xFFFFFFFF;
	(pc) =	sbr.abs _section_cstart, $3  }
0xc1: {  	[dreg:$0x1] =	wrdreg $0xFFFFFFFF  }
0xc2: {  	_ =	task.clear_ibuf [dreg:s7], $0x2FFFF;
	_ =	strace $0x9FFFFFFF  }
0xc3: {  	(tm) =	ssettm $0x7FFFFFFF  }
tec
execute0_lowered:
.L_overlay_start_1:
0x0: {  	(tag) =	ssettag $0x1  }
0x1: {  	s0 =	rddreg [dreg:$0x0];
	s1 =	srdreg.scid  }
0x2: {  	s3 =	stileid.u32;
	s4 =	rddreg [dreg:$0x1];
	s12 =	simm.s32 $0x1  }
0x3: {  	s13 =	simm.s32 $0xC800;
	s14 =	simm.s32 $0x100;
	s15 =	simm.s32 $0xCC00  }
0x4: {  	s16 =	simm.s32 $0xC900;
	s17 =	simm.s32 $0x10C00;
	s18 =	simm.s32 $0xCA00  }
0x5: {  	s19 =	simm.s32 $0x14C00;
	s20 =	simm.s32 $0xCB00;
	s21 =	simm.s32 $0x18C00  }
0x6: {  	s22 =	simm.s32 $0x2;
	s23 =	simm.s32 $0x3;
	s24 =	simm.s32 $0x4  }
0x7: {  	s25 =	simm.s32 $0x5;
	s31 =	simm.s32 $0x0;
	s7 =	smul.u32 $0xC800, s3  }
0x8: {  	s5 =	sand.u32 $0x1, s1;
	s2 =	sshll.u32 s3, $0x1;
	s10 =	smul.u32 $0xC8000, s3  }
0x9: {  	s1 =	rddreg [dreg:$0x2];
	s6 =	sor.u32 s5, s2;
	s9 =	smul.u32 $0x6400, s5  }
0xa: {  	s2 =	simm.s32 $0x0;
	s8 =	ssub.s32 $0x2, s5;
	s5 =	smul.u32 $0x64000, s5  }
0xb: {  	p0 =	sne.s32 s3, $0x0;
	s6 =	smul.u32 $0x6400, s6;
	[smem:$0x7FF] =	sst s2  }
0xc: {  	v0 =	vlaneseq.u32;
	s28 =	sshrl.u32 s8, $0x1;
	s30 =	sadd.s32 s10, s4;
	_ =	strace $0x80000047  }
0xd: {  	v0 =	vmul.u32 $0x2, v0;
	s7 =	sadd.s32 s9, s7;
	s5 =	sadd.s32 s5, s30;
	s6 =	sshrl.u32 s6, $0x3  }
0xe: {  	[dreg:$0x4] =	wrdreg s5;
	s6 =	sadd.s32 s6, s0;
	s0 =	sadd.s32 $0x800, s0  }
0xf: {  	v1 =	vor.u32 $0x1, v0;
	v2 =	vor.u32 $0x20, v0;
	v3 =	vor.u32 $0x21, v0;
	s7 =	sshll.u32 s7, $0x4;
	[dreg:$0x5] =	wrdreg s0;
	s29 =	sadd.s32 $0x6600, s6  }
0x10: {  	v4 =	vor.u32 $0x40, v0;
	v5 =	vor.u32 $0x41, v0;
	v6 =	vor.u32 $0x60, v0;
	s0 =	ssub.s32 s8, s28;
	s6 =	sadd.s32 $0x1F600, s6;
	[dreg:$0x6] =	wrdreg s29  }
0x11: {  	v7 =	vor.u32 $0x61, v0;
	v8 =	vor.u32 $0x80, v0;
	v9 =	vor.u32 $0x81, v0;
	s4 =	sadd.s32 s7, s4;
	[dreg:$0x7] =	wrdreg s6;
	s0 =	smax.u32 s0, $0x1  }
0x12: {  	v10 =	vor.u32 $0xA0, v0;
	v11 =	vor.u32 $0xA1, v0;
	v12 =	vor.u32 $0xC0, v0;
	s7 =	sadd.s32 $0x1000, s4;
	[dreg:$0x8] =	wrdreg s0;
	s0 =	sshrl.u32 @!p0 s1, $0x3  }
0x13: {  	v13 =	vor.u32 $0xC1, v0;
	v14 =	vor.u32 $0xE0, v0;
	v15 =	vor.u32 $0xE1, v0;
	s8 =	sadd.s32 $0x1800, s4;
	s9 =	sadd.s32 $0x800, s4;
	[dreg:$0x9] =	wrdreg s0  }
.LBB2_1:
0x14: {  	s0 =	rddreg [dreg:$0x6]  }
0x15: {  	s30 =	rddreg [dreg:$0x7]  }
0x16: {  	[tilespmem:s2], [sflag:$0x1] =	stream.linear.gather [hbm4b:s0+s2], $0x6400, $0x38;
	[tilespmem:$0x1FAF0] =	vst v63  }
0x17: {  	s3 =	simm.s32 $0x6400;
	s4 =	rddreg [dreg:$0x9]  }
0x18: {  	[tilespmem:s3], [sflag:$0x1] =	stream.linear.gather [hbm4b:s30+s2], $0x6400, $0x38;
	[tilespmem:$0x1FAF0] =	vst v63  }
0x19: {  	s0 =	simm.s32 @!p0 $0x1C0A;
	s3 =	rddreg [dreg:$0x5]  }
0x1a: {  	[spmem:s4], [sflag:s0] =	dma.local @!p0 [hbm:s3], $0x5DE0  }
0x1b: {  	s0 =	simm.s32 @!p0 $0xA  }
0x1c: {  	_ =	swait.ge @!p0 [sflag:s0], $0x5DE0  }
0x1d: {  	[sflag:s0] =	ssyncset.done @!p0 $0x0  }
0x1e: {  	[sflag:s0] =	ssyncadd.s32 @!p0 $0xFFFFA220  }
0x1f: {  	[bflag:$0x0] =	sbarrier.arrive $0xFFFF  }
0x20: {  	_ =	swait.ge [sflag:s12], $0x6400  }
0x21: {  	[sflag:s12] =	ssyncset.done $0x0  }
0x22: {  	[sflag:s12] =	ssyncadd.s32 $0xFFFF9C00  }
0x23: {  	_ =	swait.ge [sflag:s12], $0x6400  }
0x24: {  	[sflag:s12] =	ssyncset.done $0x0  }
0x25: {  	[sflag:s12] =	ssyncadd.s32 $0xFFFF9C00  }
0x26: {  	s0 =	simm.s32 $0x6500;
	v16 =	vld [tilespmem:s14+$0xFFFFFF00]  }
0x27: {  	v17 =	vld [tilespmem:s0+$0xFFFFFF00];
	_ =	sdelay $0x4  }
0x28: {  	v17 =	vadd.s32 $0xBB9, v17;
	[tilespmem:v0+s13+$0x0] =	vst.idx.msk $0xffff, v16  }
0x29: {  	[tilespmem:v1+s13+$0x0] =	vst.idx.msk $0xffff, v17  }
0x2a: {  	v16 =	vld [tilespmem:s14+$0xFFFFFF10]  }
0x2b: {  	v17 =	vld [tilespmem:s0+$0xFFFFFF10];
	_ =	sdelay $0x4  }
0x2c: {  	[tilespmem:v2+s13+$0x0] =	vst.idx.msk $0xffff, v16;
	v16 =	vadd.s32 $0xBB9, v17  }
0x2d: {  	[tilespmem:v3+s13+$0x0] =	vst.idx.msk $0xffff, v16  }
0x2e: {  	v16 =	vld [tilespmem:s14+$0xFFFFFF20]  }
0x2f: {  	v17 =	vld [tilespmem:s0+$0xFFFFFF20];
	_ =	sdelay $0x4  }
0x30: {  	[tilespmem:v4+s13+$0x0] =	vst.idx.msk $0xffff, v16;
	v16 =	vadd.s32 $0xBB9, v17  }
0x31: {  	[tilespmem:v5+s13+$0x0] =	vst.idx.msk $0xffff, v16  }
0x32: {  	v16 =	vld [tilespmem:s14+$0xFFFFFF30]  }
0x33: {  	v17 =	vld [tilespmem:s0+$0xFFFFFF30];
	_ =	sdelay $0x4  }
0x34: {  	[tilespmem:v6+s13+$0x0] =	vst.idx.msk $0xffff, v16;
	v16 =	vadd.s32 $0xBB9, v17  }
0x35: {  	[tilespmem:v7+s13+$0x0] =	vst.idx.msk $0xffff, v16  }
0x36: {  	v16 =	vld [tilespmem:s14+$0xFFFFFF40]  }
0x37: {  	v17 =	vld [tilespmem:s0+$0xFFFFFF40];
	_ =	sdelay $0x4  }
0x38: {  	[tilespmem:v8+s13+$0x0] =	vst.idx.msk $0xffff, v16;
	v16 =	vadd.s32 $0xBB9, v17  }
0x39: {  	[tilespmem:v9+s13+$0x0] =	vst.idx.msk $0xffff, v16  }
0x3a: {  	v16 =	vld [tilespmem:s14+$0xFFFFFF50]  }
0x3b: {  	v17 =	vld [tilespmem:s0+$0xFFFFFF50];
	_ =	sdelay $0x4  }
0x3c: {  	[tilespmem:v10+s13+$0x0] =	vst.idx.msk $0xffff, v16;
	v16 =	vadd.s32 $0xBB9, v17  }
0x3d: {  	[tilespmem:v11+s13+$0x0] =	vst.idx.msk $0xffff, v16  }
0x3e: {  	v16 =	vld [tilespmem:s14+$0xFFFFFF60]  }
0x3f: {  	v17 =	vld [tilespmem:s0+$0xFFFFFF60];
	_ =	sdelay $0x4  }
0x40: {  	[tilespmem:v12+s13+$0x0] =	vst.idx.msk $0xffff, v16;
	v16 =	vadd.s32 $0xBB9, v17  }
0x41: {  	[tilespmem:v13+s13+$0x0] =	vst.idx.msk $0xffff, v16  }
0x42: {  	v16 =	vld [tilespmem:s14+$0xFFFFFF70]  }
0x43: {  	v17 =	vld [tilespmem:s0+$0xFFFFFF70];
	_ =	sdelay $0x4  }
0x44: {  	p1 =	por $0x1, $0x1;
	[tilespmem:v14+s13+$0x0] =	vst.idx.msk $0xffff, v16;
	v16 =	vadd.s32 $0xBB9, v17  }
0x45: {  	s3 =	simm.s32 @!p1 $0x6;
	[tilespmem:v15+s13+$0x0] =	vst.idx.msk $0xffff, v16  }
0x46: {  	_ =	swait.ge @!p1 [sflag:s3], $0x4000  }
0x47: {  	[sflag:s3] =	ssyncset.done @!p1 $0x0  }
0x48: {  	[sflag:s3] =	ssyncadd.s32 @!p1 $0xFFFFC000  }
0x49: {  	[tilespmem:s15], [sflag:$0x2] =	stream.indirect.gather [spmem:s1], $0x40, s13, s14, $0xb8;
	[tilespmem:$0x1FAF0] =	vst v63  }
0x4a: {  	v16 =	vld [tilespmem:s14+$0xFFFFFF80]  }
0x4b: {  	v17 =	vld [tilespmem:s0+$0xFFFFFF80];
	_ =	sdelay $0x4  }
0x4c: {  	[tilespmem:v0+s16+$0x0] =	vst.idx.msk $0xffff, v16;
	v16 =	vadd.s32 $0xBB9, v17  }
0x4d: {  	[tilespmem:v1+s16+$0x0] =	vst.idx.msk $0xffff, v16  }
0x4e: {  	v16 =	vld [tilespmem:s14+$0xFFFFFF90]  }
0x4f: {  	v17 =	vld [tilespmem:s0+$0xFFFFFF90];
	_ =	sdelay $0x4  }
0x50: {  	[tilespmem:v2+s16+$0x0] =	vst.idx.msk $0xffff, v16;
	v16 =	vadd.s32 $0xBB9, v17  }
0x51: {  	[tilespmem:v3+s16+$0x0] =	vst.idx.msk $0xffff, v16  }
0x52: {  	v16 =	vld [tilespmem:s14+$0xFFFFFFA0]  }
0x53: {  	v17 =	vld [tilespmem:s0+$0xFFFFFFA0];
	_ =	sdelay $0x4  }
0x54: {  	[tilespmem:v4+s16+$0x0] =	vst.idx.msk $0xffff, v16;
	v16 =	vadd.s32 $0xBB9, v17  }
0x55: {  	[tilespmem:v5+s16+$0x0] =	vst.idx.msk $0xffff, v16  }
0x56: {  	v16 =	vld [tilespmem:s14+$0xFFFFFFB0]  }
0x57: {  	v17 =	vld [tilespmem:s0+$0xFFFFFFB0];
	_ =	sdelay $0x4  }
0x58: {  	[tilespmem:v6+s16+$0x0] =	vst.idx.msk $0xffff, v16;
	v16 =	vadd.s32 $0xBB9, v17  }
0x59: {  	[tilespmem:v7+s16+$0x0] =	vst.idx.msk $0xffff, v16  }
0x5a: {  	v16 =	vld [tilespmem:s14+$0xFFFFFFC0]  }
0x5b: {  	v17 =	vld [tilespmem:s0+$0xFFFFFFC0];
	_ =	sdelay $0x4  }
0x5c: {  	[tilespmem:v8+s16+$0x0] =	vst.idx.msk $0xffff, v16;
	v16 =	vadd.s32 $0xBB9, v17  }
0x5d: {  	[tilespmem:v9+s16+$0x0] =	vst.idx.msk $0xffff, v16  }
0x5e: {  	v16 =	vld [tilespmem:s14+$0xFFFFFFD0]  }
0x5f: {  	v17 =	vld [tilespmem:s0+$0xFFFFFFD0];
	_ =	sdelay $0x4  }
0x60: {  	[tilespmem:v10+s16+$0x0] =	vst.idx.msk $0xffff, v16;
	v16 =	vadd.s32 $0xBB9, v17  }
0x61: {  	[tilespmem:v11+s16+$0x0] =	vst.idx.msk $0xffff, v16  }
0x62: {  	v16 =	vld [tilespmem:s14+$0xFFFFFFE0]  }
0x63: {  	v17 =	vld [tilespmem:s0+$0xFFFFFFE0];
	_ =	sdelay $0x4  }
0x64: {  	[tilespmem:v12+s16+$0x0] =	vst.idx.msk $0xffff, v16;
	v16 =	vadd.s32 $0xBB9, v17  }
0x65: {  	[tilespmem:v13+s16+$0x0] =	vst.idx.msk $0xffff, v16  }
0x66: {  	v16 =	vld [tilespmem:s14+$0xFFFFFFF0]  }
0x67: {  	v17 =	vld [tilespmem:s0+$0xFFFFFFF0];
	_ =	sdelay $0x4  }
0x68: {  	[tilespmem:v14+s16+$0x0] =	vst.idx.msk $0xffff, v16;
	v16 =	vadd.s32 $0xBB9, v17  }
0x69: {  	s3 =	simm.s32 @!p1 $0x7;
	[tilespmem:v15+s16+$0x0] =	vst.idx.msk $0xffff, v16  }
0x6a: {  	_ =	swait.ge @!p1 [sflag:s3], $0x4000  }
0x6b: {  	[sflag:s3] =	ssyncset.done @!p1 $0x0  }
0x6c: {  	[sflag:s3] =	ssyncadd.s32 @!p1 $0xFFFFC000  }
0x6d: {  	[tilespmem:s17], [sflag:$0x3] =	stream.indirect.gather [spmem:s1], $0x40, s16, s14, $0xb8;
	[tilespmem:$0x1FAF0] =	vst v63  }
0x6e: {  	v16 =	vld [tilespmem:s14+$0x0]  }
0x6f: {  	v17 =	vld [tilespmem:s0+$0x0];
	_ =	sdelay $0x4  }
0x70: {  	[tilespmem:v0+s18+$0x0] =	vst.idx.msk $0xffff, v16;
	v16 =	vadd.s32 $0xBB9, v17  }
0x71: {  	[tilespmem:v1+s18+$0x0] =	vst.idx.msk $0xffff, v16  }
0x72: {  	v16 =	vld [tilespmem:s14+$0x10]  }
0x73: {  	v17 =	vld [tilespmem:s0+$0x10];
	_ =	sdelay $0x4  }
0x74: {  	[tilespmem:v2+s18+$0x0] =	vst.idx.msk $0xffff, v16;
	v16 =	vadd.s32 $0xBB9, v17  }
0x75: {  	[tilespmem:v3+s18+$0x0] =	vst.idx.msk $0xffff, v16  }
0x76: {  	v16 =	vld [tilespmem:s14+$0x20]  }
0x77: {  	v17 =	vld [tilespmem:s0+$0x20];
	_ =	sdelay $0x4  }
0x78: {  	[tilespmem:v4+s18+$0x0] =	vst.idx.msk $0xffff, v16;
	v16 =	vadd.s32 $0xBB9, v17  }
0x79: {  	[tilespmem:v5+s18+$0x0] =	vst.idx.msk $0xffff, v16  }
0x7a: {  	v16 =	vld [tilespmem:s14+$0x30]  }
0x7b: {  	v17 =	vld [tilespmem:s0+$0x30];
	_ =	sdelay $0x4  }
0x7c: {  	[tilespmem:v6+s18+$0x0] =	vst.idx.msk $0xffff, v16;
	v16 =	vadd.s32 $0xBB9, v17  }
0x7d: {  	[tilespmem:v7+s18+$0x0] =	vst.idx.msk $0xffff, v16  }
0x7e: {  	v16 =	vld [tilespmem:s14+$0x40]  }
0x7f: {  	v17 =	vld [tilespmem:s0+$0x40];
	_ =	sdelay $0x4  }
0x80: {  	[tilespmem:v8+s18+$0x0] =	vst.idx.msk $0xffff, v16;
	v16 =	vadd.s32 $0xBB9, v17  }
0x81: {  	[tilespmem:v9+s18+$0x0] =	vst.idx.msk $0xffff, v16  }
0x82: {  	v16 =	vld [tilespmem:s14+$0x50]  }
0x83: {  	v17 =	vld [tilespmem:s0+$0x50];
	_ =	sdelay $0x4  }
0x84: {  	[tilespmem:v10+s18+$0x0] =	vst.idx.msk $0xffff, v16;
	v16 =	vadd.s32 $0xBB9, v17  }
0x85: {  	[tilespmem:v11+s18+$0x0] =	vst.idx.msk $0xffff, v16  }
0x86: {  	v16 =	vld [tilespmem:s14+$0x60]  }
0x87: {  	v17 =	vld [tilespmem:s0+$0x60];
	_ =	sdelay $0x4  }
0x88: {  	[tilespmem:v12+s18+$0x0] =	vst.idx.msk $0xffff, v16;
	v16 =	vadd.s32 $0xBB9, v17  }
0x89: {  	[tilespmem:v13+s18+$0x0] =	vst.idx.msk $0xffff, v16  }
0x8a: {  	v16 =	vld [tilespmem:s14+$0x70]  }
0x8b: {  	v17 =	vld [tilespmem:s0+$0x70];
	_ =	sdelay $0x4  }
0x8c: {  	[tilespmem:v14+s18+$0x0] =	vst.idx.msk $0xffff, v16;
	v16 =	vadd.s32 $0xBB9, v17  }
0x8d: {  	s3 =	simm.s32 @!p1 $0x8;
	[tilespmem:v15+s18+$0x0] =	vst.idx.msk $0xffff, v16  }
0x8e: {  	_ =	swait.ge @!p1 [sflag:s3], $0x4000  }
0x8f: {  	[sflag:s3] =	ssyncset.done @!p1 $0x0  }
0x90: {  	[sflag:s3] =	ssyncadd.s32 @!p1 $0xFFFFC000  }
0x91: {  	[tilespmem:s19], [sflag:$0x4] =	stream.indirect.gather [spmem:s1], $0x40, s18, s14, $0xb8;
	[tilespmem:$0x1FAF0] =	vst v63  }
0x92: {  	v16 =	vld [tilespmem:s14+$0x80]  }
0x93: {  	v17 =	vld [tilespmem:s0+$0x80];
	_ =	sdelay $0x4  }
0x94: {  	[tilespmem:v0+s20+$0x0] =	vst.idx.msk $0xffff, v16;
	v16 =	vadd.s32 $0xBB9, v17  }
0x95: {  	[tilespmem:v1+s20+$0x0] =	vst.idx.msk $0xffff, v16  }
0x96: {  	v16 =	vld [tilespmem:s14+$0x90]  }
0x97: {  	v17 =	vld [tilespmem:s0+$0x90];
	_ =	sdelay $0x4  }
0x98: {  	[tilespmem:v2+s20+$0x0] =	vst.idx.msk $0xffff, v16;
	v16 =	vadd.s32 $0xBB9, v17  }
0x99: {  	[tilespmem:v3+s20+$0x0] =	vst.idx.msk $0xffff, v16  }
0x9a: {  	v16 =	vld [tilespmem:s14+$0xA0]  }
0x9b: {  	v17 =	vld [tilespmem:s0+$0xA0];
	_ =	sdelay $0x4  }
0x9c: {  	[tilespmem:v4+s20+$0x0] =	vst.idx.msk $0xffff, v16;
	v16 =	vadd.s32 $0xBB9, v17  }
0x9d: {  	[tilespmem:v5+s20+$0x0] =	vst.idx.msk $0xffff, v16  }
0x9e: {  	v16 =	vld [tilespmem:s14+$0xB0]  }
0x9f: {  	v17 =	vld [tilespmem:s0+$0xB0];
	_ =	sdelay $0x4  }
0xa0: {  	[tilespmem:v6+s20+$0x0] =	vst.idx.msk $0xffff, v16;
	v16 =	vadd.s32 $0xBB9, v17  }
0xa1: {  	[tilespmem:v7+s20+$0x0] =	vst.idx.msk $0xffff, v16  }
0xa2: {  	v16 =	vld [tilespmem:s14+$0xC0]  }
0xa3: {  	v17 =	vld [tilespmem:s0+$0xC0];
	_ =	sdelay $0x4  }
0xa4: {  	[tilespmem:v8+s20+$0x0] =	vst.idx.msk $0xffff, v16;
	v16 =	vadd.s32 $0xBB9, v17  }
0xa5: {  	[tilespmem:v9+s20+$0x0] =	vst.idx.msk $0xffff, v16  }
0xa6: {  	v16 =	vld [tilespmem:s14+$0xD0]  }
0xa7: {  	v17 =	vld [tilespmem:s0+$0xD0];
	_ =	sdelay $0x4  }
0xa8: {  	[tilespmem:v10+s20+$0x0] =	vst.idx.msk $0xffff, v16;
	v16 =	vadd.s32 $0xBB9, v17  }
0xa9: {  	[tilespmem:v11+s20+$0x0] =	vst.idx.msk $0xffff, v16  }
0xaa: {  	v17 =	vld [tilespmem:s14+$0xE0];
	_ =	sdelay $0x2  }
0xab: {  	s28 =	sadd.s32 $0x0, s9;
	s26 =	sadd.s32 $0x0, s7;
	s11 =	sadd.s32 $0x0, s8  }
0xac: {  	s6 =	simm.s32 $0x100;
	s5 =	simm.s32 $0x6500;
	s10 =	simm.s32 $0x0  }
0xad: {  	s29 =	simm.s32 @!p1 $0x9;
	s4 =	simm.s32 $0x100;
	s3 =	simm.s32 $0x2000;
	v16 =	vld [tilespmem:s0+$0xE0];
	[tilespmem:v12+s20+$0x0] =	vst.idx.msk $0xffff, v17  }
.LBB2_2:
0xae: {  	_ =	sdelay $0x3  }
0xaf: {  	v16 =	vadd.s32 $0xBB9, v16  }
0xb0: {  	[tilespmem:v13+s20+$0x0] =	vst.idx.msk $0xffff, v16  }
0xb1: {  	v16 =	vld [tilespmem:s4+$0xF0]  }
0xb2: {  	v17 =	vld [tilespmem:s5+$0xF0];
	_ =	sdelay $0x4  }
0xb3: {  	[tilespmem:v14+s20+$0x0] =	vst.idx.msk $0xffff, v16;
	v16 =	vadd.s32 $0xBB9, v17  }
0xb4: {  	[tilespmem:v15+s20+$0x0] =	vst.idx.msk $0xffff, v16  }
0xb5: {  	_ =	swait.ge @!p1 [sflag:s29], $0x4000  }
0xb6: {  	[sflag:s29] =	ssyncset.done @!p1 $0x0  }
0xb7: {  	[sflag:s29] =	ssyncadd.s32 @!p1 $0xFFFFC000  }
0xb8: {  	[tilespmem:s21], [sflag:$0x5] =	stream.indirect.gather [spmem:s1], $0x40, s20, s14, $0xb8;
	[tilespmem:$0x1FAF0] =	vst v63  }
0xb9: {  	_ =	swait.ge [sflag:s22], $0x4000  }
0xba: {  	[sflag:s22] =	ssyncset.done $0x0;
	s29 =	rddreg [dreg:$0x4]  }
0xbb: {  	[sflag:s22] =	ssyncadd.s32 $0xFFFFC000;
	s29 =	sadd.s32 s10, s29  }
0xbc: {  	[hbm4b:s29+s2] =	stream.linear.scatter [tilespmem:s15], [sflag:$0x6], $0x4000, $0x38;
	[tilespmem:$0x1FAF0] =	vst v63  }
0xbd: {  	_ =	swait.ge [sflag:s23], $0x4000  }
0xbe: {  	[sflag:s23] =	ssyncset.done $0x0  }
0xbf: {  	[sflag:s23] =	ssyncadd.s32 $0xFFFFC000  }
0xc0: {  	[hbm4b:s28+s2] =	stream.linear.scatter [tilespmem:s17], [sflag:$0x7], $0x4000, $0x38;
	[tilespmem:$0x1FAF0] =	vst v63  }
0xc1: {  	_ =	swait.ge [sflag:s24], $0x4000  }
0xc2: {  	[sflag:s24] =	ssyncset.done $0x0  }
0xc3: {  	[sflag:s24] =	ssyncadd.s32 $0xFFFFC000  }
0xc4: {  	[hbm4b:s26+s2] =	stream.linear.scatter [tilespmem:s19], [sflag:$0x8], $0x4000, $0x38;
	[tilespmem:$0x1FAF0] =	vst v63  }
0xc5: {  	_ =	swait.ge [sflag:s25], $0x4000  }
0xc6: {  	[sflag:s25] =	ssyncset.done $0x0  }
0xc7: {  	s6 =	sadd.s32 $0x200, s6;
	[sflag:s25] =	ssyncadd.s32 $0xFFFFC000  }
0xc8: {  	[hbm4b:s11+s2] =	stream.linear.scatter [tilespmem:s21], [sflag:$0x9], $0x4000, $0x38;
	[tilespmem:$0x1FAF0] =	vst v63  }
0xc9: {  	s0 =	sadd.s32 $0x200, s0;
	v16 =	vld [tilespmem:s6+$0xFFFFFF00]  }
0xca: {  	v17 =	vld [tilespmem:s0+$0xFFFFFF00];
	_ =	sdelay $0x4  }
0xcb: {  	v17 =	vadd.s32 $0xBB9, v17;
	[tilespmem:v0+s13+$0x0] =	vst.idx.msk $0xffff, v16  }
0xcc: {  	[tilespmem:v1+s13+$0x0] =	vst.idx.msk $0xffff, v17  }
0xcd: {  	v16 =	vld [tilespmem:s6+$0xFFFFFF10]  }
0xce: {  	v17 =	vld [tilespmem:s0+$0xFFFFFF10];
	_ =	sdelay $0x4  }
0xcf: {  	[tilespmem:v2+s13+$0x0] =	vst.idx.msk $0xffff, v16;
	v16 =	vadd.s32 $0xBB9, v17  }
0xd0: {  	[tilespmem:v3+s13+$0x0] =	vst.idx.msk $0xffff, v16  }
0xd1: {  	v16 =	vld [tilespmem:s6+$0xFFFFFF20]  }
0xd2: {  	v17 =	vld [tilespmem:s0+$0xFFFFFF20];
	_ =	sdelay $0x4  }
0xd3: {  	[tilespmem:v4+s13+$0x0] =	vst.idx.msk $0xffff, v16;
	v16 =	vadd.s32 $0xBB9, v17  }
0xd4: {  	[tilespmem:v5+s13+$0x0] =	vst.idx.msk $0xffff, v16  }
0xd5: {  	v16 =	vld [tilespmem:s6+$0xFFFFFF30]  }
0xd6: {  	v17 =	vld [tilespmem:s0+$0xFFFFFF30];
	_ =	sdelay $0x4  }
0xd7: {  	[tilespmem:v6+s13+$0x0] =	vst.idx.msk $0xffff, v16;
	v16 =	vadd.s32 $0xBB9, v17  }
0xd8: {  	[tilespmem:v7+s13+$0x0] =	vst.idx.msk $0xffff, v16  }
0xd9: {  	v16 =	vld [tilespmem:s6+$0xFFFFFF40]  }
0xda: {  	v17 =	vld [tilespmem:s0+$0xFFFFFF40];
	_ =	sdelay $0x4  }
0xdb: {  	[tilespmem:v8+s13+$0x0] =	vst.idx.msk $0xffff, v16;
	v16 =	vadd.s32 $0xBB9, v17  }
0xdc: {  	[tilespmem:v9+s13+$0x0] =	vst.idx.msk $0xffff, v16  }
0xdd: {  	v16 =	vld [tilespmem:s6+$0xFFFFFF50]  }
0xde: {  	v17 =	vld [tilespmem:s0+$0xFFFFFF50];
	_ =	sdelay $0x4  }
0xdf: {  	[tilespmem:v10+s13+$0x0] =	vst.idx.msk $0xffff, v16;
	v16 =	vadd.s32 $0xBB9, v17  }
0xe0: {  	[tilespmem:v11+s13+$0x0] =	vst.idx.msk $0xffff, v16  }
0xe1: {  	v16 =	vld [tilespmem:s6+$0xFFFFFF60]  }
0xe2: {  	v17 =	vld [tilespmem:s0+$0xFFFFFF60];
	_ =	sdelay $0x4  }
0xe3: {  	[tilespmem:v12+s13+$0x0] =	vst.idx.msk $0xffff, v16;
	v16 =	vadd.s32 $0xBB9, v17  }
0xe4: {  	[tilespmem:v13+s13+$0x0] =	vst.idx.msk $0xffff, v16  }
0xe5: {  	v16 =	vld [tilespmem:s6+$0xFFFFFF70]  }
0xe6: {  	v17 =	vld [tilespmem:s0+$0xFFFFFF70];
	_ =	sdelay $0x2  }
0xe7: {  	s30 =	smov.u32 s3  }
0xe8: {  	s10 =	smov.u32 s30  }
0xe9: {  	p1 =	seq.s32 s10, $0x0;
	[tilespmem:v14+s13+$0x0] =	vst.idx.msk $0xffff, v16;
	v16 =	vadd.s32 $0xBB9, v17  }
0xea: {  	s11 =	simm.s32 @!p1 $0x6;
	[tilespmem:v15+s13+$0x0] =	vst.idx.msk $0xffff, v16  }
0xeb: {  	_ =	swait.ge @!p1 [sflag:s11], $0x4000  }
0xec: {  	[sflag:s11] =	ssyncset.done @!p1 $0x0  }
0xed: {  	[sflag:s11] =	ssyncadd.s32 @!p1 $0xFFFFC000  }
0xee: {  	[tilespmem:s15], [sflag:$0x2] =	stream.indirect.gather [spmem:s1], $0x40, s13, s14, $0xb8;
	[tilespmem:$0x1FAF0] =	vst v63  }
0xef: {  	v16 =	vld [tilespmem:s6+$0xFFFFFF80]  }
0xf0: {  	v17 =	vld [tilespmem:s0+$0xFFFFFF80];
	_ =	sdelay $0x4  }
0xf1: {  	[tilespmem:v0+s16+$0x0] =	vst.idx.msk $0xffff, v16;
	v16 =	vadd.s32 $0xBB9, v17  }
0xf2: {  	[tilespmem:v1+s16+$0x0] =	vst.idx.msk $0xffff, v16  }
0xf3: {  	v16 =	vld [tilespmem:s6+$0xFFFFFF90]  }
0xf4: {  	v17 =	vld [tilespmem:s0+$0xFFFFFF90];
	_ =	sdelay $0x4  }
0xf5: {  	[tilespmem:v2+s16+$0x0] =	vst.idx.msk $0xffff, v16;
	v16 =	vadd.s32 $0xBB9, v17  }
0xf6: {  	[tilespmem:v3+s16+$0x0] =	vst.idx.msk $0xffff, v16  }
0xf7: {  	v16 =	vld [tilespmem:s6+$0xFFFFFFA0]  }
0xf8: {  	v17 =	vld [tilespmem:s0+$0xFFFFFFA0];
	_ =	sdelay $0x4  }
0xf9: {  	[tilespmem:v4+s16+$0x0] =	vst.idx.msk $0xffff, v16;
	v16 =	vadd.s32 $0xBB9, v17  }
0xfa: {  	[tilespmem:v5+s16+$0x0] =	vst.idx.msk $0xffff, v16  }
0xfb: {  	v16 =	vld [tilespmem:s6+$0xFFFFFFB0]  }
0xfc: {  	v17 =	vld [tilespmem:s0+$0xFFFFFFB0];
	_ =	sdelay $0x4  }
0xfd: {  	[tilespmem:v6+s16+$0x0] =	vst.idx.msk $0xffff, v16;
	v16 =	vadd.s32 $0xBB9, v17  }
0xfe: {  	[tilespmem:v7+s16+$0x0] =	vst.idx.msk $0xffff, v16  }
0xff: {  	v16 =	vld [tilespmem:s6+$0xFFFFFFC0]  }
0x100: {  	v17 =	vld [tilespmem:s0+$0xFFFFFFC0];
	_ =	sdelay $0x4  }
0x101: {  	[tilespmem:v8+s16+$0x0] =	vst.idx.msk $0xffff, v16;
	v16 =	vadd.s32 $0xBB9, v17  }
0x102: {  	[tilespmem:v9+s16+$0x0] =	vst.idx.msk $0xffff, v16  }
0x103: {  	v16 =	vld [tilespmem:s6+$0xFFFFFFD0]  }
0x104: {  	v17 =	vld [tilespmem:s0+$0xFFFFFFD0];
	_ =	sdelay $0x4  }
0x105: {  	[tilespmem:v10+s16+$0x0] =	vst.idx.msk $0xffff, v16;
	v16 =	vadd.s32 $0xBB9, v17  }
0x106: {  	[tilespmem:v11+s16+$0x0] =	vst.idx.msk $0xffff, v16  }
0x107: {  	v16 =	vld [tilespmem:s6+$0xFFFFFFE0]  }
0x108: {  	v17 =	vld [tilespmem:s0+$0xFFFFFFE0];
	_ =	sdelay $0x4  }
0x109: {  	[tilespmem:v12+s16+$0x0] =	vst.idx.msk $0xffff, v16;
	v16 =	vadd.s32 $0xBB9, v17  }
0x10a: {  	[tilespmem:v13+s16+$0x0] =	vst.idx.msk $0xffff, v16  }
0x10b: {  	v16 =	vld [tilespmem:s6+$0xFFFFFFF0]  }
0x10c: {  	v17 =	vld [tilespmem:s0+$0xFFFFFFF0];
	_ =	sdelay $0x4  }
0x10d: {  	[tilespmem:v14+s16+$0x0] =	vst.idx.msk $0xffff, v16;
	v16 =	vadd.s32 $0xBB9, v17  }
0x10e: {  	s11 =	simm.s32 @!p1 $0x7;
	[tilespmem:v15+s16+$0x0] =	vst.idx.msk $0xffff, v16  }
0x10f: {  	_ =	swait.ge @!p1 [sflag:s11], $0x4000  }
0x110: {  	[sflag:s11] =	ssyncset.done @!p1 $0x0  }
0x111: {  	[sflag:s11] =	ssyncadd.s32 @!p1 $0xFFFFC000  }
0x112: {  	[tilespmem:s17], [sflag:$0x3] =	stream.indirect.gather [spmem:s1], $0x40, s16, s14, $0xb8;
	[tilespmem:$0x1FAF0] =	vst v63  }
0x113: {  	v16 =	vld [tilespmem:s6+$0x0]  }
0x114: {  	v17 =	vld [tilespmem:s0+$0x0];
	_ =	sdelay $0x4  }
0x115: {  	[tilespmem:v0+s18+$0x0] =	vst.idx.msk $0xffff, v16;
	v16 =	vadd.s32 $0xBB9, v17  }
0x116: {  	[tilespmem:v1+s18+$0x0] =	vst.idx.msk $0xffff, v16  }
0x117: {  	v16 =	vld [tilespmem:s6+$0x10]  }
0x118: {  	v17 =	vld [tilespmem:s0+$0x10];
	_ =	sdelay $0x4  }
0x119: {  	[tilespmem:v2+s18+$0x0] =	vst.idx.msk $0xffff, v16;
	v16 =	vadd.s32 $0xBB9, v17  }
0x11a: {  	[tilespmem:v3+s18+$0x0] =	vst.idx.msk $0xffff, v16  }
0x11b: {  	v16 =	vld [tilespmem:s6+$0x20]  }
0x11c: {  	v17 =	vld [tilespmem:s0+$0x20];
	_ =	sdelay $0x4  }
0x11d: {  	[tilespmem:v4+s18+$0x0] =	vst.idx.msk $0xffff, v16;
	v16 =	vadd.s32 $0xBB9, v17  }
0x11e: {  	[tilespmem:v5+s18+$0x0] =	vst.idx.msk $0xffff, v16  }
0x11f: {  	v16 =	vld [tilespmem:s6+$0x30]  }
0x120: {  	v17 =	vld [tilespmem:s0+$0x30];
	_ =	sdelay $0x4  }
0x121: {  	[tilespmem:v6+s18+$0x0] =	vst.idx.msk $0xffff, v16;
	v16 =	vadd.s32 $0xBB9, v17  }
0x122: {  	[tilespmem:v7+s18+$0x0] =	vst.idx.msk $0xffff, v16  }
0x123: {  	v16 =	vld [tilespmem:s6+$0x40]  }
0x124: {  	v17 =	vld [tilespmem:s0+$0x40];
	_ =	sdelay $0x4  }
0x125: {  	[tilespmem:v8+s18+$0x0] =	vst.idx.msk $0xffff, v16;
	v16 =	vadd.s32 $0xBB9, v17  }
0x126: {  	[tilespmem:v9+s18+$0x0] =	vst.idx.msk $0xffff, v16  }
0x127: {  	v16 =	vld [tilespmem:s6+$0x50]  }
0x128: {  	v17 =	vld [tilespmem:s0+$0x50];
	_ =	sdelay $0x4  }
0x129: {  	[tilespmem:v10+s18+$0x0] =	vst.idx.msk $0xffff, v16;
	v16 =	vadd.s32 $0xBB9, v17  }
0x12a: {  	[tilespmem:v11+s18+$0x0] =	vst.idx.msk $0xffff, v16  }
0x12b: {  	v16 =	vld [tilespmem:s6+$0x60]  }
0x12c: {  	v17 =	vld [tilespmem:s0+$0x60];
	_ =	sdelay $0x4  }
0x12d: {  	[tilespmem:v12+s18+$0x0] =	vst.idx.msk $0xffff, v16;
	v16 =	vadd.s32 $0xBB9, v17  }
0x12e: {  	[tilespmem:v13+s18+$0x0] =	vst.idx.msk $0xffff, v16  }
0x12f: {  	v16 =	vld [tilespmem:s6+$0x70]  }
0x130: {  	v17 =	vld [tilespmem:s0+$0x70];
	_ =	sdelay $0x4  }
0x131: {  	[tilespmem:v14+s18+$0x0] =	vst.idx.msk $0xffff, v16;
	v16 =	vadd.s32 $0xBB9, v17  }
0x132: {  	s11 =	simm.s32 @!p1 $0x8;
	[tilespmem:v15+s18+$0x0] =	vst.idx.msk $0xffff, v16  }
0x133: {  	_ =	swait.ge @!p1 [sflag:s11], $0x4000  }
0x134: {  	[sflag:s11] =	ssyncset.done @!p1 $0x0  }
0x135: {  	[sflag:s11] =	ssyncadd.s32 @!p1 $0xFFFFC000  }
0x136: {  	[tilespmem:s19], [sflag:$0x4] =	stream.indirect.gather [spmem:s1], $0x40, s18, s14, $0xb8;
	[tilespmem:$0x1FAF0] =	vst v63  }
0x137: {  	v16 =	vld [tilespmem:s6+$0x80]  }
0x138: {  	v17 =	vld [tilespmem:s0+$0x80];
	_ =	sdelay $0x4  }
0x139: {  	[tilespmem:v0+s20+$0x0] =	vst.idx.msk $0xffff, v16;
	v16 =	vadd.s32 $0xBB9, v17  }
0x13a: {  	[tilespmem:v1+s20+$0x0] =	vst.idx.msk $0xffff, v16  }
0x13b: {  	v16 =	vld [tilespmem:s6+$0x90]  }
0x13c: {  	v17 =	vld [tilespmem:s0+$0x90];
	_ =	sdelay $0x4  }
0x13d: {  	[tilespmem:v2+s20+$0x0] =	vst.idx.msk $0xffff, v16;
	v16 =	vadd.s32 $0xBB9, v17  }
0x13e: {  	[tilespmem:v3+s20+$0x0] =	vst.idx.msk $0xffff, v16  }
0x13f: {  	v16 =	vld [tilespmem:s6+$0xA0]  }
0x140: {  	v17 =	vld [tilespmem:s0+$0xA0];
	_ =	sdelay $0x4  }
0x141: {  	[tilespmem:v4+s20+$0x0] =	vst.idx.msk $0xffff, v16;
	v16 =	vadd.s32 $0xBB9, v17  }
0x142: {  	[tilespmem:v5+s20+$0x0] =	vst.idx.msk $0xffff, v16  }
0x143: {  	v16 =	vld [tilespmem:s6+$0xB0]  }
0x144: {  	v17 =	vld [tilespmem:s0+$0xB0];
	_ =	sdelay $0x4  }
0x145: {  	[tilespmem:v6+s20+$0x0] =	vst.idx.msk $0xffff, v16;
	v16 =	vadd.s32 $0xBB9, v17  }
0x146: {  	[tilespmem:v7+s20+$0x0] =	vst.idx.msk $0xffff, v16  }
0x147: {  	v16 =	vld [tilespmem:s6+$0xC0]  }
0x148: {  	v17 =	vld [tilespmem:s0+$0xC0];
	_ =	sdelay $0x4  }
0x149: {  	[tilespmem:v8+s20+$0x0] =	vst.idx.msk $0xffff, v16;
	v16 =	vadd.s32 $0xBB9, v17  }
0x14a: {  	[tilespmem:v9+s20+$0x0] =	vst.idx.msk $0xffff, v16  }
0x14b: {  	v16 =	vld [tilespmem:s6+$0xD0]  }
0x14c: {  	v17 =	vld [tilespmem:s0+$0xD0];
	_ =	sdelay $0x4  }
0x14d: {  	[tilespmem:v10+s20+$0x0] =	vst.idx.msk $0xffff, v16;
	v16 =	vadd.s32 $0xBB9, v17  }
0x14e: {  	s3 =	sadd.s32 $0x2000, s3;
	[tilespmem:v11+s20+$0x0] =	vst.idx.msk $0xffff, v16  }
0x14f: {  	p2 =	sne.s32 s3, $0x64000;
	v17 =	vld [tilespmem:s6+$0xE0]  }
.Ltmp0:
0x150: {  	_ = 	snop;
	(pc) =	sbr.rel @p2 .LBB2_2-.Ltmp0, $3  }
0x151: {  	_ =	sdelay $0x1  }
0x152: {  	s4 =	smov.u32 s6;
	s5 =	smov.u32 s0;
	s29 =	simm.s32 @!p1 $0x9  }
0x153: {  	s28 =	sadd.s32 s10, s9;
	s26 =	sadd.s32 s10, s7;
	s11 =	sadd.s32 s10, s8;
	v16 =	vld [tilespmem:s0+$0xE0];
	[tilespmem:v12+s20+$0x0] =	vst.idx.msk $0xffff, v17  }
0x154: {  	_ =	sdelay $0x3  }
0x155: {  	v16 =	vadd.s32 $0xBB9, v16  }
0x156: {  	[tilespmem:v13+s20+$0x0] =	vst.idx.msk $0xffff, v16  }
0x157: {  	v16 =	vld [tilespmem:s4+$0xF0]  }
0x158: {  	v17 =	vld [tilespmem:s5+$0xF0];
	_ =	sdelay $0x4  }
0x159: {  	[tilespmem:v14+s20+$0x0] =	vst.idx.msk $0xffff, v16;
	v16 =	vadd.s32 $0xBB9, v17  }
0x15a: {  	[tilespmem:v15+s20+$0x0] =	vst.idx.msk $0xffff, v16  }
0x15b: {  	_ =	swait.ge @!p1 [sflag:s29], $0x4000  }
0x15c: {  	[sflag:s29] =	ssyncset.done @!p1 $0x0  }
0x15d: {  	[sflag:s29] =	ssyncadd.s32 @!p1 $0xFFFFC000  }
0x15e: {  	[tilespmem:s21], [sflag:$0x5] =	stream.indirect.gather [spmem:s1], $0x40, s20, s14, $0xb8;
	[tilespmem:$0x1FAF0] =	vst v63  }
0x15f: {  	_ =	swait.ge [sflag:s22], $0x4000  }
0x160: {  	s0 =	rddreg [dreg:$0x4];
	[sflag:s22] =	ssyncset.done $0x0  }
0x161: {  	[sflag:s22] =	ssyncadd.s32 $0xFFFFC000;
	s0 =	sadd.s32 s10, s0  }
0x162: {  	[hbm4b:s0+s2] =	stream.linear.scatter [tilespmem:s15], [sflag:$0x6], $0x4000, $0x38;
	[tilespmem:$0x1FAF0] =	vst v63  }
0x163: {  	_ =	swait.ge [sflag:s23], $0x4000  }
0x164: {  	[sflag:s23] =	ssyncset.done $0x0  }
0x165: {  	[sflag:s23] =	ssyncadd.s32 $0xFFFFC000  }
0x166: {  	[hbm4b:s28+s2] =	stream.linear.scatter [tilespmem:s17], [sflag:$0x7], $0x4000, $0x38;
	[tilespmem:$0x1FAF0] =	vst v63  }
0x167: {  	_ =	swait.ge [sflag:s24], $0x4000  }
0x168: {  	[sflag:s24] =	ssyncset.done $0x0  }
0x169: {  	[sflag:s24] =	ssyncadd.s32 $0xFFFFC000  }
0x16a: {  	[hbm4b:s26+s2] =	stream.linear.scatter [tilespmem:s19], [sflag:$0x8], $0x4000, $0x38;
	[tilespmem:$0x1FAF0] =	vst v63  }
0x16b: {  	_ =	swait.ge [sflag:s25], $0x4000  }
0x16c: {  	[sflag:s25] =	ssyncset.done $0x0  }
0x16d: {  	s26 =	simm.s32 $0x6;
	[sflag:s25] =	ssyncadd.s32 $0xFFFFC000  }
0x16e: {  	[hbm4b:s11+s2] =	stream.linear.scatter [tilespmem:s21], [sflag:$0x9], $0x4000, $0x38;
	[tilespmem:$0x1FAF0] =	vst v63  }
0x16f: {  	_ =	swait.ge [sflag:s26], $0x4000  }
0x170: {  	[sflag:s26] =	ssyncset.done $0x0  }
0x171: {  	s28 =	simm.s32 $0x7;
	[sflag:s26] =	ssyncadd.s32 $0xFFFFC000  }
0x172: {  	_ =	swait.ge [sflag:s28], $0x4000  }
0x173: {  	[sflag:s28] =	ssyncset.done $0x0  }
0x174: {  	s29 =	simm.s32 $0x8;
	[sflag:s28] =	ssyncadd.s32 $0xFFFFC000  }
0x175: {  	_ =	swait.ge [sflag:s29], $0x4000  }
0x176: {  	[sflag:s29] =	ssyncset.done $0x0  }
0x177: {  	s3 =	simm.s32 $0x9;
	[sflag:s29] =	ssyncadd.s32 $0xFFFFC000  }
0x178: {  	_ =	swait.ge [sflag:s3], $0x4000  }
0x179: {  	s31 =	sadd.s32 $0x1, s31;
	s30 =	rddreg [dreg:$0x8]  }
0x17a: {  	p1 =	sne.s32 s31, s30  }
.Ltmp1:
0x17b: {  	_ = 	snop;
	(pc) =	sbr.rel @p1 .LBB2_1-.Ltmp1, $3  }
0x17c: {  	_ =	sdelay $0x1  }
0x17d: {  	[sflag:s3] =	ssyncset.done $0x0  }
0x17e: {  	[sflag:s3] =	ssyncadd.s32 $0xFFFFC000  }
0x17f: {  	_ =	sfence.sel $0x180000  }
0x180: {  	[bflag:$0x0] =	sbarrier.arrive $0xFFFF  }
0x181: {  	_ =	strace $0x90000047  }
0x182: {  	[bflag:$0x2] =	sbarrier.arrive $0xFFFF  }
0x183: {  	s0 =	rddreg [dreg:$0x3]  }
0x184: {  	s0 =	sadd.s32 @!p0 $0x100000, s0  }
0x185: {  	[sflag:s0] =	ssyncadd.tile.s32 @!p0 $0x1;
	_ =	shalt  }
.Lfunc_end2:
_tile_overlayer_lowered:
.L_overlay_start_2:
0x186: {  	(tag) =	ssettag $0x2  }
0x187: {  	s0 =	rddreg [dreg:$0x0];
	s2 =	stileid.u32  }
0x188: {  	s1 =	rddreg [dreg:$0x1];
	p0 =	sne.s32 s2, $0x0  }
0x189: {  	s3 =	rddreg [dreg:$0x2];
	[bflag:$0x3] =	sbarrier.arrive $0xFFFF;
	s2 =	simm.s32 @!p0 $0x1C0A  }
0x18a: {  	[timem:s3], [sflag:s2] =	dma.local @!p0 [hbm:s0], s1  }
0x18b: {  	s0 =	simm.s32 @!p0 $0xA  }
0x18c: {  	_ =	swait.ge @!p0 [sflag:s0], s1  }
0x18d: {  	s1 =	ssub.s32 @!p0 $0x0, s1;
	[sflag:s0] =	ssyncset.done @!p0 $0x0  }
0x18e: {  	[sflag:s0] =	ssyncadd.s32 @!p0 s1  }
0x18f: {  	[bflag:$0x3] =	sbarrier.arrive $0xFFFF  }
0x190: {  	_ =	shalt  }

</sc_bundles>
